<compile_context>
chip_gen: v7x
topology: tpu7x:2x2x1
jax: 0.10.2.dev20260603
libtpu: 0.0.44.dev20260713+nightly
codegen_flags: <defaults>
</compile_context>

<pallas_src>
import functools

import jax
import jax.numpy as jnp
from jax import lax
from jax.experimental import pallas as pl
from jax.experimental.pallas import tpu as pltpu
from jax.experimental.pallas import tpu_sc as plsc

N = 10000
E = 320000
NC = 2
NS = 16
NW = NC * NS
CH = 80
NCH = E // (NW * CH)
EPW = E // NW
RPT = N // NS

_MESH = plsc.VectorSubcoreMesh(core_axis_name="c", subcore_axis_name="s",
                               num_cores=NC, num_subcores=NS)
_SC_PARAMS = pltpu.CompilerParams(use_tc_tiling_on_sc=False)


def _make_prop(w):

    @functools.partial(
        pl.kernel,
        out_type=jax.ShapeDtypeStruct((N, 128), jnp.float32),
        mesh=_MESH,
        scratch_types=[
            pltpu.VMEM((EPW,), jnp.int32),
            pltpu.VMEM((EPW,), jnp.int32),
            pltpu.VMEM((CH, w), jnp.float32),
            pltpu.VMEM((CH, w), jnp.float32),
            pltpu.VMEM_SHARED((N, w), jnp.float32),
            pltpu.VMEM_SHARED((N, w), jnp.float32),
            pltpu.SemaphoreType.DMA,
            pltpu.SemaphoreType.DMA,
        ],
        compiler_params=_SC_PARAMS,
    )
    def prop(y_hbm, ei_hbm, zero_hbm, out_hbm,
             src_v, dst_v, buf0, buf1, acc, ytab, sem0, sem1):
        c = lax.axis_index("c")
        s = lax.axis_index("s")
        wid = c * NS + s
        r0 = s * RPT
        pltpu.sync_copy(zero_hbm.at[pl.ds(r0, RPT)], acc.at[pl.ds(r0, RPT)])
        pltpu.sync_copy(y_hbm.at[pl.ds(r0, RPT), pl.ds(0, w)],
                        ytab.at[pl.ds(r0, RPT)])
        pltpu.sync_copy(ei_hbm.at[0, pl.ds(wid * EPW, EPW)], src_v)
        pltpu.sync_copy(ei_hbm.at[1, pl.ds(wid * EPW, EPW)], dst_v)
        plsc.subcore_barrier()

        pltpu.async_copy(ytab.at[src_v.at[pl.ds(0, CH)]], buf0, sem0)

        @pl.loop(0, NCH // 2)
        def _(j):
            e0 = 2 * j * CH
            g1 = pltpu.async_copy(
                ytab.at[src_v.at[pl.ds(e0 + CH, CH)]], buf1, sem1)
            pltpu.make_async_copy(
                ytab.at[src_v.at[pl.ds(e0, CH)]], buf0, sem0).wait()
            pltpu.sync_copy(buf0, acc.at[dst_v.at[pl.ds(e0, CH)]], add=True)
            pltpu.async_copy(
                ytab.at[src_v.at[pl.ds(e0 + 2 * CH, CH)]], buf0, sem0)
            g1.wait()
            pltpu.sync_copy(buf1, acc.at[dst_v.at[pl.ds(e0 + CH, CH)]],
                            add=True)

        pltpu.make_async_copy(
            ytab.at[src_v.at[pl.ds(EPW - CH, CH)]], buf0, sem0).wait()
        pltpu.sync_copy(buf0, acc.at[dst_v.at[pl.ds(EPW - CH, CH)]], add=True)

        plsc.subcore_barrier()
        pltpu.sync_copy(acc.at[pl.ds(r0, RPT)],
                        out_hbm.at[pl.ds(r0, RPT), pl.ds(64 * c, w)])

    return prop


_prop64 = _make_prop(64)
_prop16 = _make_prop(16)


@functools.partial(
    pl.kernel,
    out_type=jax.ShapeDtypeStruct((N, 128), jnp.float32),
    mesh=_MESH,
    scratch_types=[
        pltpu.VMEM((EPW,), jnp.int32),
        pltpu.VMEM((CH, 16), jnp.float32),
        pltpu.VMEM_SHARED((N, 16), jnp.float32),
    ],
    compiler_params=_SC_PARAMS,
)
def _hist(ei_hbm, ones_hbm, zero_hbm, out_hbm, dst_v, ones_v, acc):
    c = lax.axis_index("c")
    s = lax.axis_index("s")
    wid = c * NS + s
    r0 = s * RPT
    pltpu.sync_copy(zero_hbm.at[pl.ds(r0, RPT)], acc.at[pl.ds(r0, RPT)])
    pltpu.sync_copy(ei_hbm.at[1, pl.ds(wid * EPW, EPW)], dst_v)
    pltpu.sync_copy(ones_hbm, ones_v)
    plsc.subcore_barrier()

    @pl.loop(0, NCH)
    def _(j):
        pltpu.sync_copy(ones_v, acc.at[dst_v.at[pl.ds(j * CH, CH)]], add=True)

    plsc.subcore_barrier()
    pltpu.sync_copy(acc.at[pl.ds(r0, RPT)],
                    out_hbm.at[pl.ds(r0, RPT), pl.ds(64 * c, 16)])


def _tc_matmul(x, w1):

    def body(x_ref, w_ref, o_ref):
        o_ref[...] = jnp.dot(x_ref[...], w_ref[...],
                             preferred_element_type=jnp.float32)

    return pl.pallas_call(
        body,
        out_shape=jax.ShapeDtypeStruct((N, 64), jnp.float32),
    )(x, w1)


def _tc_scale(hist, xw):

    def body(h_ref, x_ref, y_ref, d_ref):
        deg = h_ref[:, 0:1] + h_ref[:, 64:65] + 1.0
        dinv = lax.rsqrt(deg)
        y_ref[:, 0:64] = x_ref[...] * dinv
        d_ref[...] = dinv

    return pl.pallas_call(
        body,
        out_shape=(
            jax.ShapeDtypeStruct((N, 128), jnp.float32),
            jax.ShapeDtypeStruct((N, 1), jnp.float32),
        ),
    )(hist, xw)


def _tc_mid(agg, y, dinv, b, w, wout):

    def body(a_ref, y_ref, d_ref, b_ref, w_ref, o_ref):
        s = a_ref[:, 0:64] + a_ref[:, 64:128] + y_ref[:, 0:64]
        h = jnp.maximum(d_ref[...] * s + b_ref[...], 0.0)
        yn = jnp.dot(h, w_ref[...],
                     preferred_element_type=jnp.float32) * d_ref[...]
        o_ref[:, 0:wout] = yn

    return pl.pallas_call(
        body,
        out_shape=jax.ShapeDtypeStruct((N, 128), jnp.float32),
    )(agg, y, dinv, b, w)


def _tc_last(agg, y, dinv, b):

    def body(a_ref, y_ref, d_ref, b_ref, o_ref):
        s = a_ref[:, 0:1] + a_ref[:, 64:65] + y_ref[:, 0:1]
        o_ref[...] = d_ref[...] * s + b_ref[...]

    return pl.pallas_call(
        body,
        out_shape=jax.ShapeDtypeStruct((N, 1), jnp.float32),
    )(agg, y, dinv, b)


def kernel(x, edge_index, edge_attr, W1, b1, W2, b2, W3, b3):
    del edge_attr
    zeros64 = jnp.zeros((N, 64), jnp.float32)
    zeros16 = jnp.zeros((N, 16), jnp.float32)
    ones = jnp.ones((CH, 16), jnp.float32)
    w3_pad = jnp.pad(W3, ((0, 0), (0, 16 - W3.shape[1])))

    hist = _hist(edge_index, ones, zeros16)
    xw = _tc_matmul(x, W1)
    y1, dinv = _tc_scale(hist, xw)
    agg1 = _prop64(y1, edge_index, zeros64)
    y2 = _tc_mid(agg1, y1, dinv, b1.reshape(1, 64), W2, 64)
    agg2 = _prop64(y2, edge_index, zeros64)
    y3 = _tc_mid(agg2, y2, dinv, b2.reshape(1, 64), w3_pad, 16)
    agg3 = _prop16(y3, edge_index, zeros16)
    return _tc_last(agg3, y3, dinv, b3.reshape(1, 1))

# --- scband reference (transcript-rebuilt; emitter-appended) ---
"""Pipeline reference for scband-saliency-gnn-60043642798828 (READ-ONLY COPY).

The authoritative reference and input builder live on the scoring server;
editing this copy changes nothing except your own understanding.
"""

import jax, jax.numpy as jnp
import numpy as np

N_NODES = 10000
N_EDGES = 320000
IN_DIM = 128
HID_DIM = 64
OUT_DIM = 1


def gcn_conv(x, edge_index, W, b):
    # x' = D^{-1/2} (A + I) D^{-1/2} X W + b   (standard GCNConv with self-loops)
    num_nodes = x.shape[0]
    xw = x @ W
    loop = jnp.arange(num_nodes, dtype=edge_index.dtype)
    src = jnp.concatenate([edge_index[0], loop])
    dst = jnp.concatenate([edge_index[1], loop])
    deg = jnp.zeros((num_nodes,), dtype=xw.dtype).at[dst].add(1.0)
    dinv = jnp.where(deg > 0, deg ** -0.5, 0.0)
    norm = dinv[src] * dinv[dst]
    msg = xw[src] * norm[:, None]
    out = jnp.zeros((num_nodes, xw.shape[1]), dtype=xw.dtype).at[dst].add(msg)
    return out + b


def setup_inputs(seed: int = 0) -> dict:
    key = jax.random.key(seed)
    k1, k2, k3, k4, k5, k6 = jax.random.split(key, 6)
    x = jax.random.normal(k1, (N_NODES, IN_DIM), dtype=jnp.float32)
    edge_index = jax.random.randint(k2, (2, N_EDGES), 0, N_NODES, dtype=jnp.int32)
    edge_attr = jax.random.normal(k3, (N_EDGES, 4), dtype=jnp.float32)
    W1 = jax.random.normal(k4, (IN_DIM, HID_DIM), dtype=jnp.float32) * (1.0 / np.sqrt(IN_DIM))
    b1 = jnp.zeros((HID_DIM,), dtype=jnp.float32)
    W2 = jax.random.normal(k5, (HID_DIM, HID_DIM), dtype=jnp.float32) * (1.0 / np.sqrt(HID_DIM))
    b2 = jnp.zeros((HID_DIM,), dtype=jnp.float32)
    W3 = jax.random.normal(k6, (HID_DIM, OUT_DIM), dtype=jnp.float32) * (1.0 / np.sqrt(HID_DIM))
    b3 = jnp.zeros((OUT_DIM,), dtype=jnp.float32)
    return {"x": x, "edge_index": edge_index, "edge_attr": edge_attr,
            "W1": W1, "b1": b1, "W2": W2, "b2": b2, "W3": W3, "b3": b3}


def reference(x, edge_index, edge_attr, W1, b1, W2, b2, W3, b3):
    # edge_attr is accepted by the original forward but unused (GCNConv ignores it)
    h = gcn_conv(x, edge_index, W1, b1)
    h = jax.nn.relu(h)
    h = gcn_conv(h, edge_index, W2, b2)
    h = jax.nn.relu(h)
    out = gcn_conv(h, edge_index, W3, b3)
    return out

if __name__ == "__main__":
    import jax
    _d = setup_inputs()
    print(jax.jit(kernel)(*tuple(_d.values())))

</pallas_src>

<mosaic_0001>
#map = affine_map<(d0, d1) -> (0, 0)>
module attributes {stable_mosaic.version = 14 : i64} {
  func.func @prop(%arg0: i32, %arg1: i32, %arg2: memref<10000x128xf32, #tpu.memory_space<hbm>>, %arg3: memref<2x320000xi32, #tpu.memory_space<hbm>>, %arg4: memref<10000x64xf32, #tpu.memory_space<hbm>>, %arg5: memref<10000x128xf32, #tpu.memory_space<hbm>>, %arg6: memref<10000xi32, #tpu.memory_space<vmem>>, %arg7: memref<10000xi32, #tpu.memory_space<vmem>>, %arg8: memref<80x64xf32, #tpu.memory_space<vmem>>, %arg9: memref<80x64xf32, #tpu.memory_space<vmem>>, %arg10: memref<10000x64xf32, #tpu.memory_space<vmem_shared>>, %arg11: memref<10000x64xf32, #tpu.memory_space<vmem_shared>>, %arg12: memref<!tpu.dma_semaphore, #tpu.memory_space<semaphore_mem>>, %arg13: memref<!tpu.dma_semaphore, #tpu.memory_space<semaphore_mem>>) attributes {dimension_semantics = [#tpu.dimension_semantics<core_parallel>, #tpu.dimension_semantics<subcore_parallel>], iteration_bounds = array<i64: 2, 16>, scalar_prefetch = 0 : i64, scratch_operands = 8 : i64, tpu.core_type = #tpu.core_type<sc_vector_subcore>, window_params = [{transform_indices = #map}, {transform_indices = #map}, {transform_indices = #map}, {transform_indices = #map}]} {
    %mul3A = arith.constant 16 : i32
    %mul3A_0 = arith.muli %arg0, %mul3A : i32
    %add3A = arith.addi %mul3A_0, %arg1 : i32
    %mul3A_1 = arith.constant 625 : i32
    %mul3A_2 = arith.muli %arg1, %mul3A_1 : i32
    "tpu.region"() ({
      %run_scoped3A_23 = tpu.sem_alloc : memref<!tpu.dma_semaphore, #tpu.memory_space<semaphore_mem>>
      %dma_start3A_24 = arith.constant 0 : i32
      %dma_start3A_25 = tpu.memref_slice %arg10[%mul3A_2, %dma_start3A_24] : memref<10000x64xf32, #tpu.memory_space<vmem_shared>> -> memref<625x64xf32, #tpu.memory_space<vmem_shared>>
      %dma_start3A_26 = arith.constant 0 : i32
      %dma_start3A_27 = tpu.memref_slice %arg4[%mul3A_2, %dma_start3A_26] : memref<10000x64xf32, #tpu.memory_space<hbm>> -> memref<625x64xf32, #tpu.memory_space<hbm>>
      tpu.enqueue_dma source(%dma_start3A_27 : memref<625x64xf32, #tpu.memory_space<hbm>>) target(%dma_start3A_25 : memref<625x64xf32, #tpu.memory_space<vmem_shared>>) target_semaphore(%run_scoped3A_23 : memref<!tpu.dma_semaphore, #tpu.memory_space<semaphore_mem>>)
      %dma_wait3A_28 = arith.constant 0 : i32
      %dma_wait3A_29 = tpu.memref_slice %arg10[%mul3A_2, %dma_wait3A_28] : memref<10000x64xf32, #tpu.memory_space<vmem_shared>> -> memref<625x64xf32, #tpu.memory_space<vmem_shared>>
      %dma_wait3A_30 = arith.constant 0 : i32
      %dma_wait3A_31 = tpu.memref_slice %arg4[%mul3A_2, %dma_wait3A_30] : memref<10000x64xf32, #tpu.memory_space<hbm>> -> memref<625x64xf32, #tpu.memory_space<hbm>>
      tpu.wait_dma2 semaphore(%run_scoped3A_23 : memref<!tpu.dma_semaphore, #tpu.memory_space<semaphore_mem>>) src(%dma_wait3A_31 : memref<625x64xf32, #tpu.memory_space<hbm>>) dst(%dma_wait3A_29 : memref<625x64xf32, #tpu.memory_space<vmem_shared>>)
      tpu.yield
    }) : () -> ()
    "tpu.region"() ({
      %run_scoped3A_23 = tpu.sem_alloc : memref<!tpu.dma_semaphore, #tpu.memory_space<semaphore_mem>>
      %dma_start3A_24 = arith.constant 0 : i32
      %dma_start3A_25 = tpu.memref_slice %arg11[%mul3A_2, %dma_start3A_24] : memref<10000x64xf32, #tpu.memory_space<vmem_shared>> -> memref<625x64xf32, #tpu.memory_space<vmem_shared>>
      %dma_start3A_26 = arith.constant 0 : i32
      %dma_start3A_27 = tpu.memref_slice %arg2[%mul3A_2, %dma_start3A_26] : memref<10000x128xf32, #tpu.memory_space<hbm>> -> memref<625x64xf32, #tpu.memory_space<hbm>>
      tpu.enqueue_dma source(%dma_start3A_27 : memref<625x64xf32, #tpu.memory_space<hbm>>) target(%dma_start3A_25 : memref<625x64xf32, #tpu.memory_space<vmem_shared>>) target_semaphore(%run_scoped3A_23 : memref<!tpu.dma_semaphore, #tpu.memory_space<semaphore_mem>>)
      %dma_wait3A_28 = arith.constant 0 : i32
      %dma_wait3A_29 = tpu.memref_slice %arg11[%mul3A_2, %dma_wait3A_28] : memref<10000x64xf32, #tpu.memory_space<vmem_shared>> -> memref<625x64xf32, #tpu.memory_space<vmem_shared>>
      %dma_wait3A_30 = arith.constant 0 : i32
      %dma_wait3A_31 = tpu.memref_slice %arg2[%mul3A_2, %dma_wait3A_30] : memref<10000x128xf32, #tpu.memory_space<hbm>> -> memref<625x64xf32, #tpu.memory_space<hbm>>
      tpu.wait_dma2 semaphore(%run_scoped3A_23 : memref<!tpu.dma_semaphore, #tpu.memory_space<semaphore_mem>>) src(%dma_wait3A_31 : memref<625x64xf32, #tpu.memory_space<hbm>>) dst(%dma_wait3A_29 : memref<625x64xf32, #tpu.memory_space<vmem_shared>>)
      tpu.yield
    }) : () -> ()
    %mul3A_3 = arith.constant 10000 : i32
    %mul3A_4 = arith.muli %add3A, %mul3A_3 : i32
    %run_scoped3A = arith.constant 0 : i32
    "tpu.region"() ({
      %run_scoped3A_23 = tpu.sem_alloc : memref<!tpu.dma_semaphore, #tpu.memory_space<semaphore_mem>>
      %dma_start3A_24 = tpu.memref_slice %arg3[%run_scoped3A, %mul3A_4] : memref<2x320000xi32, #tpu.memory_space<hbm>> -> memref<1x10000xi32, #tpu.memory_space<hbm>>
      %dma_start3A_25 = tpu.memref_squeeze %dma_start3A_24 : memref<1x10000xi32, #tpu.memory_space<hbm>> -> memref<10000xi32, #tpu.memory_space<hbm>>
      %dma_start3A_26 = tpu.memref_slice %arg3[%run_scoped3A, %mul3A_4] : memref<2x320000xi32, #tpu.memory_space<hbm>> -> memref<1x10000xi32, #tpu.memory_space<hbm>>
      %dma_start3A_27 = tpu.memref_squeeze %dma_start3A_26 : memref<1x10000xi32, #tpu.memory_space<hbm>> -> memref<10000xi32, #tpu.memory_space<hbm>>
      tpu.enqueue_dma source(%dma_start3A_27 : memref<10000xi32, #tpu.memory_space<hbm>>) target(%arg6 : memref<10000xi32, #tpu.memory_space<vmem>>) target_semaphore(%run_scoped3A_23 : memref<!tpu.dma_semaphore, #tpu.memory_space<semaphore_mem>>)
      %dma_wait3A_28 = tpu.memref_slice %arg3[%run_scoped3A, %mul3A_4] : memref<2x320000xi32, #tpu.memory_space<hbm>> -> memref<1x10000xi32, #tpu.memory_space<hbm>>
      %dma_wait3A_29 = tpu.memref_squeeze %dma_wait3A_28 : memref<1x10000xi32, #tpu.memory_space<hbm>> -> memref<10000xi32, #tpu.memory_space<hbm>>
      %dma_wait3A_30 = tpu.memref_slice %arg3[%run_scoped3A, %mul3A_4] : memref<2x320000xi32, #tpu.memory_space<hbm>> -> memref<1x10000xi32, #tpu.memory_space<hbm>>
      %dma_wait3A_31 = tpu.memref_squeeze %dma_wait3A_30 : memref<1x10000xi32, #tpu.memory_space<hbm>> -> memref<10000xi32, #tpu.memory_space<hbm>>
      tpu.wait_dma2 semaphore(%run_scoped3A_23 : memref<!tpu.dma_semaphore, #tpu.memory_space<semaphore_mem>>) src(%dma_wait3A_31 : memref<10000xi32, #tpu.memory_space<hbm>>) dst(%arg6 : memref<10000xi32, #tpu.memory_space<vmem>>)
      tpu.yield
    }) : () -> ()
    %mul3A_5 = arith.constant 10000 : i32
    %mul3A_6 = arith.muli %add3A, %mul3A_5 : i32
    %run_scoped3A_7 = arith.constant 1 : i32
    "tpu.region"() ({
      %run_scoped3A_23 = tpu.sem_alloc : memref<!tpu.dma_semaphore, #tpu.memory_space<semaphore_mem>>
      %dma_start3A_24 = tpu.memref_slice %arg3[%run_scoped3A_7, %mul3A_6] : memref<2x320000xi32, #tpu.memory_space<hbm>> -> memref<1x10000xi32, #tpu.memory_space<hbm>>
      %dma_start3A_25 = tpu.memref_squeeze %dma_start3A_24 : memref<1x10000xi32, #tpu.memory_space<hbm>> -> memref<10000xi32, #tpu.memory_space<hbm>>
      %dma_start3A_26 = tpu.memref_slice %arg3[%run_scoped3A_7, %mul3A_6] : memref<2x320000xi32, #tpu.memory_space<hbm>> -> memref<1x10000xi32, #tpu.memory_space<hbm>>
      %dma_start3A_27 = tpu.memref_squeeze %dma_start3A_26 : memref<1x10000xi32, #tpu.memory_space<hbm>> -> memref<10000xi32, #tpu.memory_space<hbm>>
      tpu.enqueue_dma source(%dma_start3A_27 : memref<10000xi32, #tpu.memory_space<hbm>>) target(%arg7 : memref<10000xi32, #tpu.memory_space<vmem>>) target_semaphore(%run_scoped3A_23 : memref<!tpu.dma_semaphore, #tpu.memory_space<semaphore_mem>>)
      %dma_wait3A_28 = tpu.memref_slice %arg3[%run_scoped3A_7, %mul3A_6] : memref<2x320000xi32, #tpu.memory_space<hbm>> -> memref<1x10000xi32, #tpu.memory_space<hbm>>
      %dma_wait3A_29 = tpu.memref_squeeze %dma_wait3A_28 : memref<1x10000xi32, #tpu.memory_space<hbm>> -> memref<10000xi32, #tpu.memory_space<hbm>>
      %dma_wait3A_30 = tpu.memref_slice %arg3[%run_scoped3A_7, %mul3A_6] : memref<2x320000xi32, #tpu.memory_space<hbm>> -> memref<1x10000xi32, #tpu.memory_space<hbm>>
      %dma_wait3A_31 = tpu.memref_squeeze %dma_wait3A_30 : memref<1x10000xi32, #tpu.memory_space<hbm>> -> memref<10000xi32, #tpu.memory_space<hbm>>
      tpu.wait_dma2 semaphore(%run_scoped3A_23 : memref<!tpu.dma_semaphore, #tpu.memory_space<semaphore_mem>>) src(%dma_wait3A_31 : memref<10000xi32, #tpu.memory_space<hbm>>) dst(%arg7 : memref<10000xi32, #tpu.memory_space<vmem>>)
      tpu.yield
    }) : () -> ()
    %barrier3A = arith.constant 0 : index
    tpu.barrier barrier_id(%barrier3A)
    %dma_start3A = arith.constant 0 : i32
    %dma_start3A_8 = tpu.memref_slice %arg6[%dma_start3A] : memref<10000xi32, #tpu.memory_space<vmem>> -> memref<80xi32, #tpu.memory_space<vmem>>
    %dma_start3A_9 = arith.constant 0 : i32
    %dma_start3A_10 = arith.constant 0 : i32
    %dma_start3A_11 = tpu.memref_slice %arg11[%dma_start3A_9, %dma_start3A_10] : memref<10000x64xf32, #tpu.memory_space<vmem_shared>> -> memref<10000x64xf32, #tpu.memory_space<vmem_shared>>
    tpu.enqueue_indirect_dma source(%dma_start3A_11 : memref<10000x64xf32, #tpu.memory_space<vmem_shared>>) target(%arg8 : memref<80x64xf32, #tpu.memory_space<vmem>>) offsets(%dma_start3A_8 : memref<80xi32, #tpu.memory_space<vmem>>) semaphore(%arg12 : memref<!tpu.dma_semaphore, #tpu.memory_space<semaphore_mem>>)
    %scan3A = arith.constant 0 : i32
    %scan3A_12 = arith.constant 62 : i32
    %scan3A_13 = arith.addi %scan3A, %scan3A_12 : i32
    %scan3A_14 = arith.constant 1 : i32
    scf.for %scan3A_23 = %scan3A to %scan3A_13 step %scan3A_14  : i32 {
      %mul3A_24 = arith.constant 1 : i32
      %mul3A_25 = arith.muli %scan3A_23, %mul3A_24 : i32
      %add3A_26 = arith.constant 0 : i32
      %add3A_27 = arith.addi %add3A_26, %mul3A_25 : i32
      %mul3A_28 = arith.constant 2 : i32
      %mul3A_29 = arith.muli %mul3A_28, %add3A_27 : i32
      %mul3A_30 = arith.constant 80 : i32
      %mul3A_31 = arith.muli %mul3A_29, %mul3A_30 : i32
      %add3A_32 = arith.constant 80 : i32
      %add3A_33 = arith.addi %mul3A_31, %add3A_32 : i32
      %dma_start3A_34 = tpu.memref_slice %arg6[%add3A_33] : memref<10000xi32, #tpu.memory_space<vmem>> -> memref<80xi32, #tpu.memory_space<vmem>>
      %dma_start3A_35 = arith.constant 0 : i32
      %dma_start3A_36 = arith.constant 0 : i32
      %dma_start3A_37 = tpu.memref_slice %arg11[%dma_start3A_35, %dma_start3A_36] : memref<10000x64xf32, #tpu.memory_space<vmem_shared>> -> memref<10000x64xf32, #tpu.memory_space<vmem_shared>>
      tpu.enqueue_indirect_dma source(%dma_start3A_37 : memref<10000x64xf32, #tpu.memory_space<vmem_shared>>) target(%arg9 : memref<80x64xf32, #tpu.memory_space<vmem>>) offsets(%dma_start3A_34 : memref<80xi32, #tpu.memory_space<vmem>>) semaphore(%arg13 : memref<!tpu.dma_semaphore, #tpu.memory_space<semaphore_mem>>)
      %dma_wait3A_38 = tpu.memref_slice %arg6[%mul3A_31] : memref<10000xi32, #tpu.memory_space<vmem>> -> memref<80xi32, #tpu.memory_space<vmem>>
      %dma_wait3A_39 = arith.constant 0 : i32
      %dma_wait3A_40 = arith.constant 0 : i32
      %dma_wait3A_41 = tpu.memref_slice %arg11[%dma_wait3A_39, %dma_wait3A_40] : memref<10000x64xf32, #tpu.memory_space<vmem_shared>> -> memref<10000x64xf32, #tpu.memory_space<vmem_shared>>
      tpu.wait_indirect_dma semaphore(%arg12 : memref<!tpu.dma_semaphore, #tpu.memory_space<semaphore_mem>>) src(%dma_wait3A_41 : memref<10000x64xf32, #tpu.memory_space<vmem_shared>>) dst(%arg8 : memref<80x64xf32, #tpu.memory_space<vmem>>)
      "tpu.region"() ({
        %run_scoped3A_54 = tpu.sem_alloc : memref<!tpu.dma_semaphore, #tpu.memory_space<semaphore_mem>>
        %dma_start3A_55 = tpu.memref_slice %arg7[%mul3A_31] : memref<10000xi32, #tpu.memory_space<vmem>> -> memref<80xi32, #tpu.memory_space<vmem>>
        %dma_start3A_56 = arith.constant 0 : i32
        %dma_start3A_57 = arith.constant 0 : i32
        %dma_start3A_58 = tpu.memref_slice %arg10[%dma_start3A_56, %dma_start3A_57] : memref<10000x64xf32, #tpu.memory_space<vmem_shared>> -> memref<10000x64xf32, #tpu.memory_space<vmem_shared>>
        tpu.enqueue_indirect_dma source(%arg8 : memref<80x64xf32, #tpu.memory_space<vmem>>) target(%dma_start3A_58 : memref<10000x64xf32, #tpu.memory_space<vmem_shared>>) offsets(%dma_start3A_55 : memref<80xi32, #tpu.memory_space<vmem>>) semaphore(%run_scoped3A_54 : memref<!tpu.dma_semaphore, #tpu.memory_space<semaphore_mem>>) {add = true}
        %dma_wait3A_59 = tpu.memref_slice %arg7[%mul3A_31] : memref<10000xi32, #tpu.memory_space<vmem>> -> memref<80xi32, #tpu.memory_space<vmem>>
        %dma_wait3A_60 = arith.constant 0 : i32
        %dma_wait3A_61 = arith.constant 0 : i32
        %dma_wait3A_62 = tpu.memref_slice %arg10[%dma_wait3A_60, %dma_wait3A_61] : memref<10000x64xf32, #tpu.memory_space<vmem_shared>> -> memref<10000x64xf32, #tpu.memory_space<vmem_shared>>
        tpu.wait_indirect_dma semaphore(%run_scoped3A_54 : memref<!tpu.dma_semaphore, #tpu.memory_space<semaphore_mem>>) src(%arg8 : memref<80x64xf32, #tpu.memory_space<vmem>>) dst(%dma_wait3A_62 : memref<10000x64xf32, #tpu.memory_space<vmem_shared>>)
        tpu.yield
      }) : () -> ()
      %add3A_42 = arith.constant 160 : i32
      %add3A_43 = arith.addi %mul3A_31, %add3A_42 : i32
      %dma_start3A_44 = tpu.memref_slice %arg6[%add3A_43] : memref<10000xi32, #tpu.memory_space<vmem>> -> memref<80xi32, #tpu.memory_space<vmem>>
      %dma_start3A_45 = arith.constant 0 : i32
      %dma_start3A_46 = arith.constant 0 : i32
      %dma_start3A_47 = tpu.memref_slice %arg11[%dma_start3A_45, %dma_start3A_46] : memref<10000x64xf32, #tpu.memory_space<vmem_shared>> -> memref<10000x64xf32, #tpu.memory_space<vmem_shared>>
      tpu.enqueue_indirect_dma source(%dma_start3A_47 : memref<10000x64xf32, #tpu.memory_space<vmem_shared>>) target(%arg8 : memref<80x64xf32, #tpu.memory_space<vmem>>) offsets(%dma_start3A_44 : memref<80xi32, #tpu.memory_space<vmem>>) semaphore(%arg12 : memref<!tpu.dma_semaphore, #tpu.memory_space<semaphore_mem>>)
      %dma_wait3A_48 = tpu.memref_slice %arg6[%add3A_33] : memref<10000xi32, #tpu.memory_space<vmem>> -> memref<80xi32, #tpu.memory_space<vmem>>
      %dma_wait3A_49 = arith.constant 0 : i32
      %dma_wait3A_50 = arith.constant 0 : i32
      %dma_wait3A_51 = tpu.memref_slice %arg11[%dma_wait3A_49, %dma_wait3A_50] : memref<10000x64xf32, #tpu.memory_space<vmem_shared>> -> memref<10000x64xf32, #tpu.memory_space<vmem_shared>>
      tpu.wait_indirect_dma semaphore(%arg13 : memref<!tpu.dma_semaphore, #tpu.memory_space<semaphore_mem>>) src(%dma_wait3A_51 : memref<10000x64xf32, #tpu.memory_space<vmem_shared>>) dst(%arg9 : memref<80x64xf32, #tpu.memory_space<vmem>>)
      %add3A_52 = arith.constant 80 : i32
      %add3A_53 = arith.addi %mul3A_31, %add3A_52 : i32
      "tpu.region"() ({
        %run_scoped3A_54 = tpu.sem_alloc : memref<!tpu.dma_semaphore, #tpu.memory_space<semaphore_mem>>
        %dma_start3A_55 = tpu.memref_slice %arg7[%add3A_53] : memref<10000xi32, #tpu.memory_space<vmem>> -> memref<80xi32, #tpu.memory_space<vmem>>
        %dma_start3A_56 = arith.constant 0 : i32
        %dma_start3A_57 = arith.constant 0 : i32
        %dma_start3A_58 = tpu.memref_slice %arg10[%dma_start3A_56, %dma_start3A_57] : memref<10000x64xf32, #tpu.memory_space<vmem_shared>> -> memref<10000x64xf32, #tpu.memory_space<vmem_shared>>
        tpu.enqueue_indirect_dma source(%arg9 : memref<80x64xf32, #tpu.memory_space<vmem>>) target(%dma_start3A_58 : memref<10000x64xf32, #tpu.memory_space<vmem_shared>>) offsets(%dma_start3A_55 : memref<80xi32, #tpu.memory_space<vmem>>) semaphore(%run_scoped3A_54 : memref<!tpu.dma_semaphore, #tpu.memory_space<semaphore_mem>>) {add = true}
        %dma_wait3A_59 = tpu.memref_slice %arg7[%add3A_53] : memref<10000xi32, #tpu.memory_space<vmem>> -> memref<80xi32, #tpu.memory_space<vmem>>
        %dma_wait3A_60 = arith.constant 0 : i32
        %dma_wait3A_61 = arith.constant 0 : i32
        %dma_wait3A_62 = tpu.memref_slice %arg10[%dma_wait3A_60, %dma_wait3A_61] : memref<10000x64xf32, #tpu.memory_space<vmem_shared>> -> memref<10000x64xf32, #tpu.memory_space<vmem_shared>>
        tpu.wait_indirect_dma semaphore(%run_scoped3A_54 : memref<!tpu.dma_semaphore, #tpu.memory_space<semaphore_mem>>) src(%arg9 : memref<80x64xf32, #tpu.memory_space<vmem>>) dst(%dma_wait3A_62 : memref<10000x64xf32, #tpu.memory_space<vmem_shared>>)
        tpu.yield
      }) : () -> ()
    }
    %scan3A_15 = arith.constant 62 : i32
    %dma_wait3A = arith.constant 9920 : i32
    %dma_wait3A_16 = tpu.memref_slice %arg6[%dma_wait3A] : memref<10000xi32, #tpu.memory_space<vmem>> -> memref<80xi32, #tpu.memory_space<vmem>>
    %dma_wait3A_17 = arith.constant 0 : i32
    %dma_wait3A_18 = arith.constant 0 : i32
    %dma_wait3A_19 = tpu.memref_slice %arg11[%dma_wait3A_17, %dma_wait3A_18] : memref<10000x64xf32, #tpu.memory_space<vmem_shared>> -> memref<10000x64xf32, #tpu.memory_space<vmem_shared>>
    tpu.wait_indirect_dma semaphore(%arg12 : memref<!tpu.dma_semaphore, #tpu.memory_space<semaphore_mem>>) src(%dma_wait3A_19 : memref<10000x64xf32, #tpu.memory_space<vmem_shared>>) dst(%arg8 : memref<80x64xf32, #tpu.memory_space<vmem>>)
    "tpu.region"() ({
      %run_scoped3A_23 = tpu.sem_alloc : memref<!tpu.dma_semaphore, #tpu.memory_space<semaphore_mem>>
      %dma_start3A_24 = arith.constant 9920 : i32
      %dma_start3A_25 = tpu.memref_slice %arg7[%dma_start3A_24] : memref<10000xi32, #tpu.memory_space<vmem>> -> memref<80xi32, #tpu.memory_space<vmem>>
      %dma_start3A_26 = arith.constant 0 : i32
      %dma_start3A_27 = arith.constant 0 : i32
      %dma_start3A_28 = tpu.memref_slice %arg10[%dma_start3A_26, %dma_start3A_27] : memref<10000x64xf32, #tpu.memory_space<vmem_shared>> -> memref<10000x64xf32, #tpu.memory_space<vmem_shared>>
      tpu.enqueue_indirect_dma source(%arg8 : memref<80x64xf32, #tpu.memory_space<vmem>>) target(%dma_start3A_28 : memref<10000x64xf32, #tpu.memory_space<vmem_shared>>) offsets(%dma_start3A_25 : memref<80xi32, #tpu.memory_space<vmem>>) semaphore(%run_scoped3A_23 : memref<!tpu.dma_semaphore, #tpu.memory_space<semaphore_mem>>) {add = true}
      %dma_wait3A_29 = arith.constant 9920 : i32
      %dma_wait3A_30 = tpu.memref_slice %arg7[%dma_wait3A_29] : memref<10000xi32, #tpu.memory_space<vmem>> -> memref<80xi32, #tpu.memory_space<vmem>>
      %dma_wait3A_31 = arith.constant 0 : i32
      %dma_wait3A_32 = arith.constant 0 : i32
      %dma_wait3A_33 = tpu.memref_slice %arg10[%dma_wait3A_31, %dma_wait3A_32] : memref<10000x64xf32, #tpu.memory_space<vmem_shared>> -> memref<10000x64xf32, #tpu.memory_space<vmem_shared>>
      tpu.wait_indirect_dma semaphore(%run_scoped3A_23 : memref<!tpu.dma_semaphore, #tpu.memory_space<semaphore_mem>>) src(%arg8 : memref<80x64xf32, #tpu.memory_space<vmem>>) dst(%dma_wait3A_33 : memref<10000x64xf32, #tpu.memory_space<vmem_shared>>)
      tpu.yield
    }) : () -> ()
    %barrier3A_20 = arith.constant 0 : index
    tpu.barrier barrier_id(%barrier3A_20)
    %mul3A_21 = arith.constant 64 : i32
    %mul3A_22 = arith.muli %mul3A_21, %arg0 : i32
    "tpu.region"() ({
      %run_scoped3A_23 = tpu.sem_alloc : memref<!tpu.dma_semaphore, #tpu.memory_space<semaphore_mem>>
      %dma_start3A_24 = tpu.memref_slice %arg5[%mul3A_2, %mul3A_22] : memref<10000x128xf32, #tpu.memory_space<hbm>> -> memref<625x64xf32, #tpu.memory_space<hbm>>
      %dma_start3A_25 = arith.constant 0 : i32
      %dma_start3A_26 = tpu.memref_slice %arg10[%mul3A_2, %dma_start3A_25] : memref<10000x64xf32, #tpu.memory_space<vmem_shared>> -> memref<625x64xf32, #tpu.memory_space<vmem_shared>>
      tpu.enqueue_dma source(%dma_start3A_26 : memref<625x64xf32, #tpu.memory_space<vmem_shared>>) target(%dma_start3A_24 : memref<625x64xf32, #tpu.memory_space<hbm>>) target_semaphore(%run_scoped3A_23 : memref<!tpu.dma_semaphore, #tpu.memory_space<semaphore_mem>>)
      %dma_wait3A_27 = tpu.memref_slice %arg5[%mul3A_2, %mul3A_22] : memref<10000x128xf32, #tpu.memory_space<hbm>> -> memref<625x64xf32, #tpu.memory_space<hbm>>
      %dma_wait3A_28 = arith.constant 0 : i32
      %dma_wait3A_29 = tpu.memref_slice %arg10[%mul3A_2, %dma_wait3A_28] : memref<10000x64xf32, #tpu.memory_space<vmem_shared>> -> memref<625x64xf32, #tpu.memory_space<vmem_shared>>
      tpu.wait_dma2 semaphore(%run_scoped3A_23 : memref<!tpu.dma_semaphore, #tpu.memory_space<semaphore_mem>>) src(%dma_wait3A_29 : memref<625x64xf32, #tpu.memory_space<vmem_shared>>) dst(%dma_wait3A_27 : memref<625x64xf32, #tpu.memory_space<hbm>>)
      tpu.yield
    }) : () -> ()
    return
  }
}

#map = affine_map<(d0, d1) -> (0, 0)>
module attributes {stable_mosaic.version = 14 : i64} {
  func.func @prop(%arg0: i32, %arg1: i32, %arg2: memref<10000x128xf32, #tpu.memory_space<hbm>>, %arg3: memref<2x320000xi32, #tpu.memory_space<hbm>>, %arg4: memref<10000x64xf32, #tpu.memory_space<hbm>>, %arg5: memref<10000x128xf32, #tpu.memory_space<hbm>>, %arg6: memref<10000xi32, #tpu.memory_space<vmem>>, %arg7: memref<10000xi32, #tpu.memory_space<vmem>>, %arg8: memref<80x64xf32, #tpu.memory_space<vmem>>, %arg9: memref<80x64xf32, #tpu.memory_space<vmem>>, %arg10: memref<10000x64xf32, #tpu.memory_space<vmem_shared>>, %arg11: memref<10000x64xf32, #tpu.memory_space<vmem_shared>>, %arg12: memref<!tpu.dma_semaphore, #tpu.memory_space<semaphore_mem>>, %arg13: memref<!tpu.dma_semaphore, #tpu.memory_space<semaphore_mem>>) attributes {dimension_semantics = [#tpu.dimension_semantics<core_parallel>, #tpu.dimension_semantics<subcore_parallel>], iteration_bounds = array<i64: 2, 16>, scalar_prefetch = 0 : i64, scratch_operands = 8 : i64, tpu.core_type = #tpu.core_type<sc_vector_subcore>, window_params = [{transform_indices = #map}, {transform_indices = #map}, {transform_indices = #map}, {transform_indices = #map}]} {
    %mul3A = arith.constant 16 : i32
    %mul3A_0 = arith.muli %arg0, %mul3A : i32
    %add3A = arith.addi %mul3A_0, %arg1 : i32
    %mul3A_1 = arith.constant 625 : i32
    %mul3A_2 = arith.muli %arg1, %mul3A_1 : i32
    "tpu.region"() ({
      %run_scoped3A_23 = tpu.sem_alloc : memref<!tpu.dma_semaphore, #tpu.memory_space<semaphore_mem>>
      %dma_start3A_24 = arith.constant 0 : i32
      %dma_start3A_25 = tpu.memref_slice %arg10[%mul3A_2, %dma_start3A_24] : memref<10000x64xf32, #tpu.memory_space<vmem_shared>> -> memref<625x64xf32, #tpu.memory_space<vmem_shared>>
      %dma_start3A_26 = arith.constant 0 : i32
      %dma_start3A_27 = tpu.memref_slice %arg4[%mul3A_2, %dma_start3A_26] : memref<10000x64xf32, #tpu.memory_space<hbm>> -> memref<625x64xf32, #tpu.memory_space<hbm>>
      tpu.enqueue_dma source(%dma_start3A_27 : memref<625x64xf32, #tpu.memory_space<hbm>>) target(%dma_start3A_25 : memref<625x64xf32, #tpu.memory_space<vmem_shared>>) target_semaphore(%run_scoped3A_23 : memref<!tpu.dma_semaphore, #tpu.memory_space<semaphore_mem>>)
      %dma_wait3A_28 = arith.constant 0 : i32
      %dma_wait3A_29 = tpu.memref_slice %arg10[%mul3A_2, %dma_wait3A_28] : memref<10000x64xf32, #tpu.memory_space<vmem_shared>> -> memref<625x64xf32, #tpu.memory_space<vmem_shared>>
      %dma_wait3A_30 = arith.constant 0 : i32
      %dma_wait3A_31 = tpu.memref_slice %arg4[%mul3A_2, %dma_wait3A_30] : memref<10000x64xf32, #tpu.memory_space<hbm>> -> memref<625x64xf32, #tpu.memory_space<hbm>>
      tpu.wait_dma2 semaphore(%run_scoped3A_23 : memref<!tpu.dma_semaphore, #tpu.memory_space<semaphore_mem>>) src(%dma_wait3A_31 : memref<625x64xf32, #tpu.memory_space<hbm>>) dst(%dma_wait3A_29 : memref<625x64xf32, #tpu.memory_space<vmem_shared>>)
      tpu.yield
    }) : () -> ()
    "tpu.region"() ({
      %run_scoped3A_23 = tpu.sem_alloc : memref<!tpu.dma_semaphore, #tpu.memory_space<semaphore_mem>>
      %dma_start3A_24 = arith.constant 0 : i32
      %dma_start3A_25 = tpu.memref_slice %arg11[%mul3A_2, %dma_start3A_24] : memref<10000x64xf32, #tpu.memory_space<vmem_shared>> -> memref<625x64xf32, #tpu.memory_space<vmem_shared>>
      %dma_start3A_26 = arith.constant 0 : i32
      %dma_start3A_27 = tpu.memref_slice %arg2[%mul3A_2, %dma_start3A_26] : memref<10000x128xf32, #tpu.memory_space<hbm>> -> memref<625x64xf32, #tpu.memory_space<hbm>>
      tpu.enqueue_dma source(%dma_start3A_27 : memref<625x64xf32, #tpu.memory_space<hbm>>) target(%dma_start3A_25 : memref<625x64xf32, #tpu.memory_space<vmem_shared>>) target_semaphore(%run_scoped3A_23 : memref<!tpu.dma_semaphore, #tpu.memory_space<semaphore_mem>>)
      %dma_wait3A_28 = arith.constant 0 : i32
      %dma_wait3A_29 = tpu.memref_slice %arg11[%mul3A_2, %dma_wait3A_28] : memref<10000x64xf32, #tpu.memory_space<vmem_shared>> -> memref<625x64xf32, #tpu.memory_space<vmem_shared>>
      %dma_wait3A_30 = arith.constant 0 : i32
      %dma_wait3A_31 = tpu.memref_slice %arg2[%mul3A_2, %dma_wait3A_30] : memref<10000x128xf32, #tpu.memory_space<hbm>> -> memref<625x64xf32, #tpu.memory_space<hbm>>
      tpu.wait_dma2 semaphore(%run_scoped3A_23 : memref<!tpu.dma_semaphore, #tpu.memory_space<semaphore_mem>>) src(%dma_wait3A_31 : memref<625x64xf32, #tpu.memory_space<hbm>>) dst(%dma_wait3A_29 : memref<625x64xf32, #tpu.memory_space<vmem_shared>>)
      tpu.yield
    }) : () -> ()
    %mul3A_3 = arith.constant 10000 : i32
    %mul3A_4 = arith.muli %add3A, %mul3A_3 : i32
    %run_scoped3A = arith.constant 0 : i32
    "tpu.region"() ({
      %run_scoped3A_23 = tpu.sem_alloc : memref<!tpu.dma_semaphore, #tpu.memory_space<semaphore_mem>>
      %dma_start3A_24 = tpu.memref_slice %arg3[%run_scoped3A, %mul3A_4] : memref<2x320000xi32, #tpu.memory_space<hbm>> -> memref<1x10000xi32, #tpu.memory_space<hbm>>
      %dma_start3A_25 = tpu.memref_squeeze %dma_start3A_24 : memref<1x10000xi32, #tpu.memory_space<hbm>> -> memref<10000xi32, #tpu.memory_space<hbm>>
      %dma_start3A_26 = tpu.memref_slice %arg3[%run_scoped3A, %mul3A_4] : memref<2x320000xi32, #tpu.memory_space<hbm>> -> memref<1x10000xi32, #tpu.memory_space<hbm>>
      %dma_start3A_27 = tpu.memref_squeeze %dma_start3A_26 : memref<1x10000xi32, #tpu.memory_space<hbm>> -> memref<10000xi32, #tpu.memory_space<hbm>>
      tpu.enqueue_dma source(%dma_start3A_27 : memref<10000xi32, #tpu.memory_space<hbm>>) target(%arg6 : memref<10000xi32, #tpu.memory_space<vmem>>) target_semaphore(%run_scoped3A_23 : memref<!tpu.dma_semaphore, #tpu.memory_space<semaphore_mem>>)
      %dma_wait3A_28 = tpu.memref_slice %arg3[%run_scoped3A, %mul3A_4] : memref<2x320000xi32, #tpu.memory_space<hbm>> -> memref<1x10000xi32, #tpu.memory_space<hbm>>
      %dma_wait3A_29 = tpu.memref_squeeze %dma_wait3A_28 : memref<1x10000xi32, #tpu.memory_space<hbm>> -> memref<10000xi32, #tpu.memory_space<hbm>>
      %dma_wait3A_30 = tpu.memref_slice %arg3[%run_scoped3A, %mul3A_4] : memref<2x320000xi32, #tpu.memory_space<hbm>> -> memref<1x10000xi32, #tpu.memory_space<hbm>>
      %dma_wait3A_31 = tpu.memref_squeeze %dma_wait3A_30 : memref<1x10000xi32, #tpu.memory_space<hbm>> -> memref<10000xi32, #tpu.memory_space<hbm>>
      tpu.wait_dma2 semaphore(%run_scoped3A_23 : memref<!tpu.dma_semaphore, #tpu.memory_space<semaphore_mem>>) src(%dma_wait3A_31 : memref<10000xi32, #tpu.memory_space<hbm>>) dst(%arg6 : memref<10000xi32, #tpu.memory_space<vmem>>)
      tpu.yield
    }) : () -> ()
    %mul3A_5 = arith.constant 10000 : i32
    %mul3A_6 = arith.muli %add3A, %mul3A_5 : i32
    %run_scoped3A_7 = arith.constant 1 : i32
    "tpu.region"() ({
      %run_scoped3A_23 = tpu.sem_alloc : memref<!tpu.dma_semaphore, #tpu.memory_space<semaphore_mem>>
      %dma_start3A_24 = tpu.memref_slice %arg3[%run_scoped3A_7, %mul3A_6] : memref<2x320000xi32, #tpu.memory_space<hbm>> -> memref<1x10000xi32, #tpu.memory_space<hbm>>
      %dma_start3A_25 = tpu.memref_squeeze %dma_start3A_24 : memref<1x10000xi32, #tpu.memory_space<hbm>> -> memref<10000xi32, #tpu.memory_space<hbm>>
      %dma_start3A_26 = tpu.memref_slice %arg3[%run_scoped3A_7, %mul3A_6] : memref<2x320000xi32, #tpu.memory_space<hbm>> -> memref<1x10000xi32, #tpu.memory_space<hbm>>
      %dma_start3A_27 = tpu.memref_squeeze %dma_start3A_26 : memref<1x10000xi32, #tpu.memory_space<hbm>> -> memref<10000xi32, #tpu.memory_space<hbm>>
      tpu.enqueue_dma source(%dma_start3A_27 : memref<10000xi32, #tpu.memory_space<hbm>>) target(%arg7 : memref<10000xi32, #tpu.memory_space<vmem>>) target_semaphore(%run_scoped3A_23 : memref<!tpu.dma_semaphore, #tpu.memory_space<semaphore_mem>>)
      %dma_wait3A_28 = tpu.memref_slice %arg3[%run_scoped3A_7, %mul3A_6] : memref<2x320000xi32, #tpu.memory_space<hbm>> -> memref<1x10000xi32, #tpu.memory_space<hbm>>
      %dma_wait3A_29 = tpu.memref_squeeze %dma_wait3A_28 : memref<1x10000xi32, #tpu.memory_space<hbm>> -> memref<10000xi32, #tpu.memory_space<hbm>>
      %dma_wait3A_30 = tpu.memref_slice %arg3[%run_scoped3A_7, %mul3A_6] : memref<2x320000xi32, #tpu.memory_space<hbm>> -> memref<1x10000xi32, #tpu.memory_space<hbm>>
      %dma_wait3A_31 = tpu.memref_squeeze %dma_wait3A_30 : memref<1x10000xi32, #tpu.memory_space<hbm>> -> memref<10000xi32, #tpu.memory_space<hbm>>
      tpu.wait_dma2 semaphore(%run_scoped3A_23 : memref<!tpu.dma_semaphore, #tpu.memory_space<semaphore_mem>>) src(%dma_wait3A_31 : memref<10000xi32, #tpu.memory_space<hbm>>) dst(%arg7 : memref<10000xi32, #tpu.memory_space<vmem>>)
      tpu.yield
    }) : () -> ()
    %barrier3A = arith.constant 0 : index
    tpu.barrier barrier_id(%barrier3A)
    %dma_start3A = arith.constant 0 : i32
    %dma_start3A_8 = tpu.memref_slice %arg6[%dma_start3A] : memref<10000xi32, #tpu.memory_space<vmem>> -> memref<80xi32, #tpu.memory_space<vmem>>
    %dma_start3A_9 = arith.constant 0 : i32
    %dma_start3A_10 = arith.constant 0 : i32
    %dma_start3A_11 = tpu.memref_slice %arg11[%dma_start3A_9, %dma_start3A_10] : memref<10000x64xf32, #tpu.memory_space<vmem_shared>> -> memref<10000x64xf32, #tpu.memory_space<vmem_shared>>
    tpu.enqueue_indirect_dma source(%dma_start3A_11 : memref<10000x64xf32, #tpu.memory_space<vmem_shared>>) target(%arg8 : memref<80x64xf32, #tpu.memory_space<vmem>>) offsets(%dma_start3A_8 : memref<80xi32, #tpu.memory_space<vmem>>) semaphore(%arg12 : memref<!tpu.dma_semaphore, #tpu.memory_space<semaphore_mem>>)
    %scan3A = arith.constant 0 : i32
    %scan3A_12 = arith.constant 62 : i32
    %scan3A_13 = arith.addi %scan3A, %scan3A_12 : i32
    %scan3A_14 = arith.constant 1 : i32
    scf.for %scan3A_23 = %scan3A to %scan3A_13 step %scan3A_14  : i32 {
      %mul3A_24 = arith.constant 1 : i32
      %mul3A_25 = arith.muli %scan3A_23, %mul3A_24 : i32
      %add3A_26 = arith.constant 0 : i32
      %add3A_27 = arith.addi %add3A_26, %mul3A_25 : i32
      %mul3A_28 = arith.constant 2 : i32
      %mul3A_29 = arith.muli %mul3A_28, %add3A_27 : i32
      %mul3A_30 = arith.constant 80 : i32
      %mul3A_31 = arith.muli %mul3A_29, %mul3A_30 : i32
      %add3A_32 = arith.constant 80 : i32
      %add3A_33 = arith.addi %mul3A_31, %add3A_32 : i32
      %dma_start3A_34 = tpu.memref_slice %arg6[%add3A_33] : memref<10000xi32, #tpu.memory_space<vmem>> -> memref<80xi32, #tpu.memory_space<vmem>>
      %dma_start3A_35 = arith.constant 0 : i32
      %dma_start3A_36 = arith.constant 0 : i32
      %dma_start3A_37 = tpu.memref_slice %arg11[%dma_start3A_35, %dma_start3A_36] : memref<10000x64xf32, #tpu.memory_space<vmem_shared>> -> memref<10000x64xf32, #tpu.memory_space<vmem_shared>>
      tpu.enqueue_indirect_dma source(%dma_start3A_37 : memref<10000x64xf32, #tpu.memory_space<vmem_shared>>) target(%arg9 : memref<80x64xf32, #tpu.memory_space<vmem>>) offsets(%dma_start3A_34 : memref<80xi32, #tpu.memory_space<vmem>>) semaphore(%arg13 : memref<!tpu.dma_semaphore, #tpu.memory_space<semaphore_mem>>)
      %dma_wait3A_38 = tpu.memref_slice %arg6[%mul3A_31] : memref<10000xi32, #tpu.memory_space<vmem>> -> memref<80xi32, #tpu.memory_space<vmem>>
      %dma_wait3A_39 = arith.constant 0 : i32
      %dma_wait3A_40 = arith.constant 0 : i32
      %dma_wait3A_41 = tpu.memref_slice %arg11[%dma_wait3A_39, %dma_wait3A_40] : memref<10000x64xf32, #tpu.memory_space<vmem_shared>> -> memref<10000x64xf32, #tpu.memory_space<vmem_shared>>
      tpu.wait_indirect_dma semaphore(%arg12 : memref<!tpu.dma_semaphore, #tpu.memory_space<semaphore_mem>>) src(%dma_wait3A_41 : memref<10000x64xf32, #tpu.memory_space<vmem_shared>>) dst(%arg8 : memref<80x64xf32, #tpu.memory_space<vmem>>)
      "tpu.region"() ({
        %run_scoped3A_54 = tpu.sem_alloc : memref<!tpu.dma_semaphore, #tpu.memory_space<semaphore_mem>>
        %dma_start3A_55 = tpu.memref_slice %arg7[%mul3A_31] : memref<10000xi32, #tpu.memory_space<vmem>> -> memref<80xi32, #tpu.memory_space<vmem>>
        %dma_start3A_56 = arith.constant 0 : i32
        %dma_start3A_57 = arith.constant 0 : i32
        %dma_start3A_58 = tpu.memref_slice %arg10[%dma_start3A_56, %dma_start3A_57] : memref<10000x64xf32, #tpu.memory_space<vmem_shared>> -> memref<10000x64xf32, #tpu.memory_space<vmem_shared>>
        tpu.enqueue_indirect_dma source(%arg8 : memref<80x64xf32, #tpu.memory_space<vmem>>) target(%dma_start3A_58 : memref<10000x64xf32, #tpu.memory_space<vmem_shared>>) offsets(%dma_start3A_55 : memref<80xi32, #tpu.memory_space<vmem>>) semaphore(%run_scoped3A_54 : memref<!tpu.dma_semaphore, #tpu.memory_space<semaphore_mem>>) {add = true}
        %dma_wait3A_59 = tpu.memref_slice %arg7[%mul3A_31] : memref<10000xi32, #tpu.memory_space<vmem>> -> memref<80xi32, #tpu.memory_space<vmem>>
        %dma_wait3A_60 = arith.constant 0 : i32
        %dma_wait3A_61 = arith.constant 0 : i32
        %dma_wait3A_62 = tpu.memref_slice %arg10[%dma_wait3A_60, %dma_wait3A_61] : memref<10000x64xf32, #tpu.memory_space<vmem_shared>> -> memref<10000x64xf32, #tpu.memory_space<vmem_shared>>
        tpu.wait_indirect_dma semaphore(%run_scoped3A_54 : memref<!tpu.dma_semaphore, #tpu.memory_space<semaphore_mem>>) src(%arg8 : memref<80x64xf32, #tpu.memory_space<vmem>>) dst(%dma_wait3A_62 : memref<10000x64xf32, #tpu.memory_space<vmem_shared>>)
        tpu.yield
      }) : () -> ()
      %add3A_42 = arith.constant 160 : i32
      %add3A_43 = arith.addi %mul3A_31, %add3A_42 : i32
      %dma_start3A_44 = tpu.memref_slice %arg6[%add3A_43] : memref<10000xi32, #tpu.memory_space<vmem>> -> memref<80xi32, #tpu.memory_space<vmem>>
      %dma_start3A_45 = arith.constant 0 : i32
      %dma_start3A_46 = arith.constant 0 : i32
      %dma_start3A_47 = tpu.memref_slice %arg11[%dma_start3A_45, %dma_start3A_46] : memref<10000x64xf32, #tpu.memory_space<vmem_shared>> -> memref<10000x64xf32, #tpu.memory_space<vmem_shared>>
      tpu.enqueue_indirect_dma source(%dma_start3A_47 : memref<10000x64xf32, #tpu.memory_space<vmem_shared>>) target(%arg8 : memref<80x64xf32, #tpu.memory_space<vmem>>) offsets(%dma_start3A_44 : memref<80xi32, #tpu.memory_space<vmem>>) semaphore(%arg12 : memref<!tpu.dma_semaphore, #tpu.memory_space<semaphore_mem>>)
      %dma_wait3A_48 = tpu.memref_slice %arg6[%add3A_33] : memref<10000xi32, #tpu.memory_space<vmem>> -> memref<80xi32, #tpu.memory_space<vmem>>
      %dma_wait3A_49 = arith.constant 0 : i32
      %dma_wait3A_50 = arith.constant 0 : i32
      %dma_wait3A_51 = tpu.memref_slice %arg11[%dma_wait3A_49, %dma_wait3A_50] : memref<10000x64xf32, #tpu.memory_space<vmem_shared>> -> memref<10000x64xf32, #tpu.memory_space<vmem_shared>>
      tpu.wait_indirect_dma semaphore(%arg13 : memref<!tpu.dma_semaphore, #tpu.memory_space<semaphore_mem>>) src(%dma_wait3A_51 : memref<10000x64xf32, #tpu.memory_space<vmem_shared>>) dst(%arg9 : memref<80x64xf32, #tpu.memory_space<vmem>>)
      %add3A_52 = arith.constant 80 : i32
      %add3A_53 = arith.addi %mul3A_31, %add3A_52 : i32
      "tpu.region"() ({
        %run_scoped3A_54 = tpu.sem_alloc : memref<!tpu.dma_semaphore, #tpu.memory_space<semaphore_mem>>
        %dma_start3A_55 = tpu.memref_slice %arg7[%add3A_53] : memref<10000xi32, #tpu.memory_space<vmem>> -> memref<80xi32, #tpu.memory_space<vmem>>
        %dma_start3A_56 = arith.constant 0 : i32
        %dma_start3A_57 = arith.constant 0 : i32
        %dma_start3A_58 = tpu.memref_slice %arg10[%dma_start3A_56, %dma_start3A_57] : memref<10000x64xf32, #tpu.memory_space<vmem_shared>> -> memref<10000x64xf32, #tpu.memory_space<vmem_shared>>
        tpu.enqueue_indirect_dma source(%arg9 : memref<80x64xf32, #tpu.memory_space<vmem>>) target(%dma_start3A_58 : memref<10000x64xf32, #tpu.memory_space<vmem_shared>>) offsets(%dma_start3A_55 : memref<80xi32, #tpu.memory_space<vmem>>) semaphore(%run_scoped3A_54 : memref<!tpu.dma_semaphore, #tpu.memory_space<semaphore_mem>>) {add = true}
        %dma_wait3A_59 = tpu.memref_slice %arg7[%add3A_53] : memref<10000xi32, #tpu.memory_space<vmem>> -> memref<80xi32, #tpu.memory_space<vmem>>
        %dma_wait3A_60 = arith.constant 0 : i32
        %dma_wait3A_61 = arith.constant 0 : i32
        %dma_wait3A_62 = tpu.memref_slice %arg10[%dma_wait3A_60, %dma_wait3A_61] : memref<10000x64xf32, #tpu.memory_space<vmem_shared>> -> memref<10000x64xf32, #tpu.memory_space<vmem_shared>>
        tpu.wait_indirect_dma semaphore(%run_scoped3A_54 : memref<!tpu.dma_semaphore, #tpu.memory_space<semaphore_mem>>) src(%arg9 : memref<80x64xf32, #tpu.memory_space<vmem>>) dst(%dma_wait3A_62 : memref<10000x64xf32, #tpu.memory_space<vmem_shared>>)
        tpu.yield
      }) : () -> ()
    }
    %scan3A_15 = arith.constant 62 : i32
    %dma_wait3A = arith.constant 9920 : i32
    %dma_wait3A_16 = tpu.memref_slice %arg6[%dma_wait3A] : memref<10000xi32, #tpu.memory_space<vmem>> -> memref<80xi32, #tpu.memory_space<vmem>>
    %dma_wait3A_17 = arith.constant 0 : i32
    %dma_wait3A_18 = arith.constant 0 : i32
    %dma_wait3A_19 = tpu.memref_slice %arg11[%dma_wait3A_17, %dma_wait3A_18] : memref<10000x64xf32, #tpu.memory_space<vmem_shared>> -> memref<10000x64xf32, #tpu.memory_space<vmem_shared>>
    tpu.wait_indirect_dma semaphore(%arg12 : memref<!tpu.dma_semaphore, #tpu.memory_space<semaphore_mem>>) src(%dma_wait3A_19 : memref<10000x64xf32, #tpu.memory_space<vmem_shared>>) dst(%arg8 : memref<80x64xf32, #tpu.memory_space<vmem>>)
    "tpu.region"() ({
      %run_scoped3A_23 = tpu.sem_alloc : memref<!tpu.dma_semaphore, #tpu.memory_space<semaphore_mem>>
      %dma_start3A_24 = arith.constant 9920 : i32
      %dma_start3A_25 = tpu.memref_slice %arg7[%dma_start3A_24] : memref<10000xi32, #tpu.memory_space<vmem>> -> memref<80xi32, #tpu.memory_space<vmem>>
      %dma_start3A_26 = arith.constant 0 : i32
      %dma_start3A_27 = arith.constant 0 : i32
      %dma_start3A_28 = tpu.memref_slice %arg10[%dma_start3A_26, %dma_start3A_27] : memref<10000x64xf32, #tpu.memory_space<vmem_shared>> -> memref<10000x64xf32, #tpu.memory_space<vmem_shared>>
      tpu.enqueue_indirect_dma source(%arg8 : memref<80x64xf32, #tpu.memory_space<vmem>>) target(%dma_start3A_28 : memref<10000x64xf32, #tpu.memory_space<vmem_shared>>) offsets(%dma_start3A_25 : memref<80xi32, #tpu.memory_space<vmem>>) semaphore(%run_scoped3A_23 : memref<!tpu.dma_semaphore, #tpu.memory_space<semaphore_mem>>) {add = true}
      %dma_wait3A_29 = arith.constant 9920 : i32
      %dma_wait3A_30 = tpu.memref_slice %arg7[%dma_wait3A_29] : memref<10000xi32, #tpu.memory_space<vmem>> -> memref<80xi32, #tpu.memory_space<vmem>>
      %dma_wait3A_31 = arith.constant 0 : i32
      %dma_wait3A_32 = arith.constant 0 : i32
      %dma_wait3A_33 = tpu.memref_slice %arg10[%dma_wait3A_31, %dma_wait3A_32] : memref<10000x64xf32, #tpu.memory_space<vmem_shared>> -> memref<10000x64xf32, #tpu.memory_space<vmem_shared>>
      tpu.wait_indirect_dma semaphore(%run_scoped3A_23 : memref<!tpu.dma_semaphore, #tpu.memory_space<semaphore_mem>>) src(%arg8 : memref<80x64xf32, #tpu.memory_space<vmem>>) dst(%dma_wait3A_33 : memref<10000x64xf32, #tpu.memory_space<vmem_shared>>)
      tpu.yield
    }) : () -> ()
    %barrier3A_20 = arith.constant 0 : index
    tpu.barrier barrier_id(%barrier3A_20)
    %mul3A_21 = arith.constant 64 : i32
    %mul3A_22 = arith.muli %mul3A_21, %arg0 : i32
    "tpu.region"() ({
      %run_scoped3A_23 = tpu.sem_alloc : memref<!tpu.dma_semaphore, #tpu.memory_space<semaphore_mem>>
      %dma_start3A_24 = tpu.memref_slice %arg5[%mul3A_2, %mul3A_22] : memref<10000x128xf32, #tpu.memory_space<hbm>> -> memref<625x64xf32, #tpu.memory_space<hbm>>
      %dma_start3A_25 = arith.constant 0 : i32
      %dma_start3A_26 = tpu.memref_slice %arg10[%mul3A_2, %dma_start3A_25] : memref<10000x64xf32, #tpu.memory_space<vmem_shared>> -> memref<625x64xf32, #tpu.memory_space<vmem_shared>>
      tpu.enqueue_dma source(%dma_start3A_26 : memref<625x64xf32, #tpu.memory_space<vmem_shared>>) target(%dma_start3A_24 : memref<625x64xf32, #tpu.memory_space<hbm>>) target_semaphore(%run_scoped3A_23 : memref<!tpu.dma_semaphore, #tpu.memory_space<semaphore_mem>>)
      %dma_wait3A_27 = tpu.memref_slice %arg5[%mul3A_2, %mul3A_22] : memref<10000x128xf32, #tpu.memory_space<hbm>> -> memref<625x64xf32, #tpu.memory_space<hbm>>
      %dma_wait3A_28 = arith.constant 0 : i32
      %dma_wait3A_29 = tpu.memref_slice %arg10[%mul3A_2, %dma_wait3A_28] : memref<10000x64xf32, #tpu.memory_space<vmem_shared>> -> memref<625x64xf32, #tpu.memory_space<vmem_shared>>
      tpu.wait_dma2 semaphore(%run_scoped3A_23 : memref<!tpu.dma_semaphore, #tpu.memory_space<semaphore_mem>>) src(%dma_wait3A_29 : memref<625x64xf32, #tpu.memory_space<vmem_shared>>) dst(%dma_wait3A_27 : memref<625x64xf32, #tpu.memory_space<hbm>>)
      tpu.yield
    }) : () -> ()
    return
  }
}

#map = affine_map<(d0, d1) -> (0, 0)>
module attributes {stable_mosaic.version = 14 : i64} {
  func.func @_hist(%arg0: i32, %arg1: i32, %arg2: memref<2x320000xi32, #tpu.memory_space<hbm>>, %arg3: memref<80x16xf32, #tpu.memory_space<hbm>>, %arg4: memref<10000x16xf32, #tpu.memory_space<hbm>>, %arg5: memref<10000x128xf32, #tpu.memory_space<hbm>>, %arg6: memref<10000xi32, #tpu.memory_space<vmem>>, %arg7: memref<80x16xf32, #tpu.memory_space<vmem>>, %arg8: memref<10000x16xf32, #tpu.memory_space<vmem_shared>>) attributes {dimension_semantics = [#tpu.dimension_semantics<core_parallel>, #tpu.dimension_semantics<subcore_parallel>], iteration_bounds = array<i64: 2, 16>, scalar_prefetch = 0 : i64, scratch_operands = 3 : i64, tpu.core_type = #tpu.core_type<sc_vector_subcore>, window_params = [{transform_indices = #map}, {transform_indices = #map}, {transform_indices = #map}, {transform_indices = #map}]} {
    %mul3A = arith.constant 16 : i32
    %mul3A_0 = arith.muli %arg0, %mul3A : i32
    %add3A = arith.addi %mul3A_0, %arg1 : i32
    %mul3A_1 = arith.constant 625 : i32
    %mul3A_2 = arith.muli %arg1, %mul3A_1 : i32
    "tpu.region"() ({
      %run_scoped3A_12 = tpu.sem_alloc : memref<!tpu.dma_semaphore, #tpu.memory_space<semaphore_mem>>
      %dma_start3A = arith.constant 0 : i32
      %dma_start3A_13 = tpu.memref_slice %arg8[%mul3A_2, %dma_start3A] : memref<10000x16xf32, #tpu.memory_space<vmem_shared>> -> memref<625x16xf32, #tpu.memory_space<vmem_shared>>
      %dma_start3A_14 = arith.constant 0 : i32
      %dma_start3A_15 = tpu.memref_slice %arg4[%mul3A_2, %dma_start3A_14] : memref<10000x16xf32, #tpu.memory_space<hbm>> -> memref<625x16xf32, #tpu.memory_space<hbm>>
      tpu.enqueue_dma source(%dma_start3A_15 : memref<625x16xf32, #tpu.memory_space<hbm>>) target(%dma_start3A_13 : memref<625x16xf32, #tpu.memory_space<vmem_shared>>) target_semaphore(%run_scoped3A_12 : memref<!tpu.dma_semaphore, #tpu.memory_space<semaphore_mem>>)
      %dma_wait3A = arith.constant 0 : i32
      %dma_wait3A_16 = tpu.memref_slice %arg8[%mul3A_2, %dma_wait3A] : memref<10000x16xf32, #tpu.memory_space<vmem_shared>> -> memref<625x16xf32, #tpu.memory_space<vmem_shared>>
      %dma_wait3A_17 = arith.constant 0 : i32
      %dma_wait3A_18 = tpu.memref_slice %arg4[%mul3A_2, %dma_wait3A_17] : memref<10000x16xf32, #tpu.memory_space<hbm>> -> memref<625x16xf32, #tpu.memory_space<hbm>>
      tpu.wait_dma2 semaphore(%run_scoped3A_12 : memref<!tpu.dma_semaphore, #tpu.memory_space<semaphore_mem>>) src(%dma_wait3A_18 : memref<625x16xf32, #tpu.memory_space<hbm>>) dst(%dma_wait3A_16 : memref<625x16xf32, #tpu.memory_space<vmem_shared>>)
      tpu.yield
    }) : () -> ()
    %mul3A_3 = arith.constant 10000 : i32
    %mul3A_4 = arith.muli %add3A, %mul3A_3 : i32
    %run_scoped3A = arith.constant 1 : i32
    "tpu.region"() ({
      %run_scoped3A_12 = tpu.sem_alloc : memref<!tpu.dma_semaphore, #tpu.memory_space<semaphore_mem>>
      %dma_start3A = tpu.memref_slice %arg2[%run_scoped3A, %mul3A_4] : memref<2x320000xi32, #tpu.memory_space<hbm>> -> memref<1x10000xi32, #tpu.memory_space<hbm>>
      %dma_start3A_13 = tpu.memref_squeeze %dma_start3A : memref<1x10000xi32, #tpu.memory_space<hbm>> -> memref<10000xi32, #tpu.memory_space<hbm>>
      %dma_start3A_14 = tpu.memref_slice %arg2[%run_scoped3A, %mul3A_4] : memref<2x320000xi32, #tpu.memory_space<hbm>> -> memref<1x10000xi32, #tpu.memory_space<hbm>>
      %dma_start3A_15 = tpu.memref_squeeze %dma_start3A_14 : memref<1x10000xi32, #tpu.memory_space<hbm>> -> memref<10000xi32, #tpu.memory_space<hbm>>
      tpu.enqueue_dma source(%dma_start3A_15 : memref<10000xi32, #tpu.memory_space<hbm>>) target(%arg6 : memref<10000xi32, #tpu.memory_space<vmem>>) target_semaphore(%run_scoped3A_12 : memref<!tpu.dma_semaphore, #tpu.memory_space<semaphore_mem>>)
      %dma_wait3A = tpu.memref_slice %arg2[%run_scoped3A, %mul3A_4] : memref<2x320000xi32, #tpu.memory_space<hbm>> -> memref<1x10000xi32, #tpu.memory_space<hbm>>
      %dma_wait3A_16 = tpu.memref_squeeze %dma_wait3A : memref<1x10000xi32, #tpu.memory_space<hbm>> -> memref<10000xi32, #tpu.memory_space<hbm>>
      %dma_wait3A_17 = tpu.memref_slice %arg2[%run_scoped3A, %mul3A_4] : memref<2x320000xi32, #tpu.memory_space<hbm>> -> memref<1x10000xi32, #tpu.memory_space<hbm>>
      %dma_wait3A_18 = tpu.memref_squeeze %dma_wait3A_17 : memref<1x10000xi32, #tpu.memory_space<hbm>> -> memref<10000xi32, #tpu.memory_space<hbm>>
      tpu.wait_dma2 semaphore(%run_scoped3A_12 : memref<!tpu.dma_semaphore, #tpu.memory_space<semaphore_mem>>) src(%dma_wait3A_18 : memref<10000xi32, #tpu.memory_space<hbm>>) dst(%arg6 : memref<10000xi32, #tpu.memory_space<vmem>>)
      tpu.yield
    }) : () -> ()
    "tpu.region"() ({
      %run_scoped3A_12 = tpu.sem_alloc : memref<!tpu.dma_semaphore, #tpu.memory_space<semaphore_mem>>
      tpu.enqueue_dma source(%arg3 : memref<80x16xf32, #tpu.memory_space<hbm>>) target(%arg7 : memref<80x16xf32, #tpu.memory_space<vmem>>) target_semaphore(%run_scoped3A_12 : memref<!tpu.dma_semaphore, #tpu.memory_space<semaphore_mem>>)
      tpu.wait_dma2 semaphore(%run_scoped3A_12 : memref<!tpu.dma_semaphore, #tpu.memory_space<semaphore_mem>>) src(%arg3 : memref<80x16xf32, #tpu.memory_space<hbm>>) dst(%arg7 : memref<80x16xf32, #tpu.memory_space<vmem>>)
      tpu.yield
    }) : () -> ()
    %barrier3A = arith.constant 0 : index
    tpu.barrier barrier_id(%barrier3A)
    %scan3A = arith.constant 0 : i32
    %scan3A_5 = arith.constant 125 : i32
    %scan3A_6 = arith.addi %scan3A, %scan3A_5 : i32
    %scan3A_7 = arith.constant 1 : i32
    scf.for %scan3A_12 = %scan3A to %scan3A_6 step %scan3A_7  : i32 {
      %mul3A_13 = arith.constant 1 : i32
      %mul3A_14 = arith.muli %scan3A_12, %mul3A_13 : i32
      %add3A_15 = arith.constant 0 : i32
      %add3A_16 = arith.addi %add3A_15, %mul3A_14 : i32
      %mul3A_17 = arith.constant 80 : i32
      %mul3A_18 = arith.muli %add3A_16, %mul3A_17 : i32
      "tpu.region"() ({
        %run_scoped3A_19 = tpu.sem_alloc : memref<!tpu.dma_semaphore, #tpu.memory_space<semaphore_mem>>
        %dma_start3A = tpu.memref_slice %arg6[%mul3A_18] : memref<10000xi32, #tpu.memory_space<vmem>> -> memref<80xi32, #tpu.memory_space<vmem>>
        %dma_start3A_20 = arith.constant 0 : i32
        %dma_start3A_21 = arith.constant 0 : i32
        %dma_start3A_22 = tpu.memref_slice %arg8[%dma_start3A_20, %dma_start3A_21] : memref<10000x16xf32, #tpu.memory_space<vmem_shared>> -> memref<10000x16xf32, #tpu.memory_space<vmem_shared>>
        tpu.enqueue_indirect_dma source(%arg7 : memref<80x16xf32, #tpu.memory_space<vmem>>) target(%dma_start3A_22 : memref<10000x16xf32, #tpu.memory_space<vmem_shared>>) offsets(%dma_start3A : memref<80xi32, #tpu.memory_space<vmem>>) semaphore(%run_scoped3A_19 : memref<!tpu.dma_semaphore, #tpu.memory_space<semaphore_mem>>) {add = true}
        %dma_wait3A = tpu.memref_slice %arg6[%mul3A_18] : memref<10000xi32, #tpu.memory_space<vmem>> -> memref<80xi32, #tpu.memory_space<vmem>>
        %dma_wait3A_23 = arith.constant 0 : i32
        %dma_wait3A_24 = arith.constant 0 : i32
        %dma_wait3A_25 = tpu.memref_slice %arg8[%dma_wait3A_23, %dma_wait3A_24] : memref<10000x16xf32, #tpu.memory_space<vmem_shared>> -> memref<10000x16xf32, #tpu.memory_space<vmem_shared>>
        tpu.wait_indirect_dma semaphore(%run_scoped3A_19 : memref<!tpu.dma_semaphore, #tpu.memory_space<semaphore_mem>>) src(%arg7 : memref<80x16xf32, #tpu.memory_space<vmem>>) dst(%dma_wait3A_25 : memref<10000x16xf32, #tpu.memory_space<vmem_shared>>)
        tpu.yield
      }) : () -> ()
    }
    %scan3A_8 = arith.constant 125 : i32
    %barrier3A_9 = arith.constant 0 : index
    tpu.barrier barrier_id(%barrier3A_9)
    %mul3A_10 = arith.constant 64 : i32
    %mul3A_11 = arith.muli %mul3A_10, %arg0 : i32
    "tpu.region"() ({
      %run_scoped3A_12 = tpu.sem_alloc : memref<!tpu.dma_semaphore, #tpu.memory_space<semaphore_mem>>
      %dma_start3A = tpu.memref_slice %arg5[%mul3A_2, %mul3A_11] : memref<10000x128xf32, #tpu.memory_space<hbm>> -> memref<625x16xf32, #tpu.memory_space<hbm>>
      %dma_start3A_13 = arith.constant 0 : i32
      %dma_start3A_14 = tpu.memref_slice %arg8[%mul3A_2, %dma_start3A_13] : memref<10000x16xf32, #tpu.memory_space<vmem_shared>> -> memref<625x16xf32, #tpu.memory_space<vmem_shared>>
      tpu.enqueue_dma source(%dma_start3A_14 : memref<625x16xf32, #tpu.memory_space<vmem_shared>>) target(%dma_start3A : memref<625x16xf32, #tpu.memory_space<hbm>>) target_semaphore(%run_scoped3A_12 : memref<!tpu.dma_semaphore, #tpu.memory_space<semaphore_mem>>)
      %dma_wait3A = tpu.memref_slice %arg5[%mul3A_2, %mul3A_11] : memref<10000x128xf32, #tpu.memory_space<hbm>> -> memref<625x16xf32, #tpu.memory_space<hbm>>
      %dma_wait3A_15 = arith.constant 0 : i32
      %dma_wait3A_16 = tpu.memref_slice %arg8[%mul3A_2, %dma_wait3A_15] : memref<10000x16xf32, #tpu.memory_space<vmem_shared>> -> memref<625x16xf32, #tpu.memory_space<vmem_shared>>
      tpu.wait_dma2 semaphore(%run_scoped3A_12 : memref<!tpu.dma_semaphore, #tpu.memory_space<semaphore_mem>>) src(%dma_wait3A_16 : memref<625x16xf32, #tpu.memory_space<vmem_shared>>) dst(%dma_wait3A : memref<625x16xf32, #tpu.memory_space<hbm>>)
      tpu.yield
    }) : () -> ()
    return
  }
}

#map = affine_map<(d0, d1) -> (0, 0)>
module attributes {stable_mosaic.version = 14 : i64} {
  func.func @prop(%arg0: i32, %arg1: i32, %arg2: memref<10000x128xf32, #tpu.memory_space<hbm>>, %arg3: memref<2x320000xi32, #tpu.memory_space<hbm>>, %arg4: memref<10000x16xf32, #tpu.memory_space<hbm>>, %arg5: memref<10000x128xf32, #tpu.memory_space<hbm>>, %arg6: memref<10000xi32, #tpu.memory_space<vmem>>, %arg7: memref<10000xi32, #tpu.memory_space<vmem>>, %arg8: memref<80x16xf32, #tpu.memory_space<vmem>>, %arg9: memref<80x16xf32, #tpu.memory_space<vmem>>, %arg10: memref<10000x16xf32, #tpu.memory_space<vmem_shared>>, %arg11: memref<10000x16xf32, #tpu.memory_space<vmem_shared>>, %arg12: memref<!tpu.dma_semaphore, #tpu.memory_space<semaphore_mem>>, %arg13: memref<!tpu.dma_semaphore, #tpu.memory_space<semaphore_mem>>) attributes {dimension_semantics = [#tpu.dimension_semantics<core_parallel>, #tpu.dimension_semantics<subcore_parallel>], iteration_bounds = array<i64: 2, 16>, scalar_prefetch = 0 : i64, scratch_operands = 8 : i64, tpu.core_type = #tpu.core_type<sc_vector_subcore>, window_params = [{transform_indices = #map}, {transform_indices = #map}, {transform_indices = #map}, {transform_indices = #map}]} {
    %mul3A = arith.constant 16 : i32
    %mul3A_0 = arith.muli %arg0, %mul3A : i32
    %add3A = arith.addi %mul3A_0, %arg1 : i32
    %mul3A_1 = arith.constant 625 : i32
    %mul3A_2 = arith.muli %arg1, %mul3A_1 : i32
    "tpu.region"() ({
      %run_scoped3A_23 = tpu.sem_alloc : memref<!tpu.dma_semaphore, #tpu.memory_space<semaphore_mem>>
      %dma_start3A_24 = arith.constant 0 : i32
      %dma_start3A_25 = tpu.memref_slice %arg10[%mul3A_2, %dma_start3A_24] : memref<10000x16xf32, #tpu.memory_space<vmem_shared>> -> memref<625x16xf32, #tpu.memory_space<vmem_shared>>
      %dma_start3A_26 = arith.constant 0 : i32
      %dma_start3A_27 = tpu.memref_slice %arg4[%mul3A_2, %dma_start3A_26] : memref<10000x16xf32, #tpu.memory_space<hbm>> -> memref<625x16xf32, #tpu.memory_space<hbm>>
      tpu.enqueue_dma source(%dma_start3A_27 : memref<625x16xf32, #tpu.memory_space<hbm>>) target(%dma_start3A_25 : memref<625x16xf32, #tpu.memory_space<vmem_shared>>) target_semaphore(%run_scoped3A_23 : memref<!tpu.dma_semaphore, #tpu.memory_space<semaphore_mem>>)
      %dma_wait3A_28 = arith.constant 0 : i32
      %dma_wait3A_29 = tpu.memref_slice %arg10[%mul3A_2, %dma_wait3A_28] : memref<10000x16xf32, #tpu.memory_space<vmem_shared>> -> memref<625x16xf32, #tpu.memory_space<vmem_shared>>
      %dma_wait3A_30 = arith.constant 0 : i32
      %dma_wait3A_31 = tpu.memref_slice %arg4[%mul3A_2, %dma_wait3A_30] : memref<10000x16xf32, #tpu.memory_space<hbm>> -> memref<625x16xf32, #tpu.memory_space<hbm>>
      tpu.wait_dma2 semaphore(%run_scoped3A_23 : memref<!tpu.dma_semaphore, #tpu.memory_space<semaphore_mem>>) src(%dma_wait3A_31 : memref<625x16xf32, #tpu.memory_space<hbm>>) dst(%dma_wait3A_29 : memref<625x16xf32, #tpu.memory_space<vmem_shared>>)
      tpu.yield
    }) : () -> ()
    "tpu.region"() ({
      %run_scoped3A_23 = tpu.sem_alloc : memref<!tpu.dma_semaphore, #tpu.memory_space<semaphore_mem>>
      %dma_start3A_24 = arith.constant 0 : i32
      %dma_start3A_25 = tpu.memref_slice %arg11[%mul3A_2, %dma_start3A_24] : memref<10000x16xf32, #tpu.memory_space<vmem_shared>> -> memref<625x16xf32, #tpu.memory_space<vmem_shared>>
      %dma_start3A_26 = arith.constant 0 : i32
      %dma_start3A_27 = tpu.memref_slice %arg2[%mul3A_2, %dma_start3A_26] : memref<10000x128xf32, #tpu.memory_space<hbm>> -> memref<625x16xf32, #tpu.memory_space<hbm>>
      tpu.enqueue_dma source(%dma_start3A_27 : memref<625x16xf32, #tpu.memory_space<hbm>>) target(%dma_start3A_25 : memref<625x16xf32, #tpu.memory_space<vmem_shared>>) target_semaphore(%run_scoped3A_23 : memref<!tpu.dma_semaphore, #tpu.memory_space<semaphore_mem>>)
      %dma_wait3A_28 = arith.constant 0 : i32
      %dma_wait3A_29 = tpu.memref_slice %arg11[%mul3A_2, %dma_wait3A_28] : memref<10000x16xf32, #tpu.memory_space<vmem_shared>> -> memref<625x16xf32, #tpu.memory_space<vmem_shared>>
      %dma_wait3A_30 = arith.constant 0 : i32
      %dma_wait3A_31 = tpu.memref_slice %arg2[%mul3A_2, %dma_wait3A_30] : memref<10000x128xf32, #tpu.memory_space<hbm>> -> memref<625x16xf32, #tpu.memory_space<hbm>>
      tpu.wait_dma2 semaphore(%run_scoped3A_23 : memref<!tpu.dma_semaphore, #tpu.memory_space<semaphore_mem>>) src(%dma_wait3A_31 : memref<625x16xf32, #tpu.memory_space<hbm>>) dst(%dma_wait3A_29 : memref<625x16xf32, #tpu.memory_space<vmem_shared>>)
      tpu.yield
    }) : () -> ()
    %mul3A_3 = arith.constant 10000 : i32
    %mul3A_4 = arith.muli %add3A, %mul3A_3 : i32
    %run_scoped3A = arith.constant 0 : i32
    "tpu.region"() ({
      %run_scoped3A_23 = tpu.sem_alloc : memref<!tpu.dma_semaphore, #tpu.memory_space<semaphore_mem>>
      %dma_start3A_24 = tpu.memref_slice %arg3[%run_scoped3A, %mul3A_4] : memref<2x320000xi32, #tpu.memory_space<hbm>> -> memref<1x10000xi32, #tpu.memory_space<hbm>>
      %dma_start3A_25 = tpu.memref_squeeze %dma_start3A_24 : memref<1x10000xi32, #tpu.memory_space<hbm>> -> memref<10000xi32, #tpu.memory_space<hbm>>
      %dma_start3A_26 = tpu.memref_slice %arg3[%run_scoped3A, %mul3A_4] : memref<2x320000xi32, #tpu.memory_space<hbm>> -> memref<1x10000xi32, #tpu.memory_space<hbm>>
      %dma_start3A_27 = tpu.memref_squeeze %dma_start3A_26 : memref<1x10000xi32, #tpu.memory_space<hbm>> -> memref<10000xi32, #tpu.memory_space<hbm>>
      tpu.enqueue_dma source(%dma_start3A_27 : memref<10000xi32, #tpu.memory_space<hbm>>) target(%arg6 : memref<10000xi32, #tpu.memory_space<vmem>>) target_semaphore(%run_scoped3A_23 : memref<!tpu.dma_semaphore, #tpu.memory_space<semaphore_mem>>)
      %dma_wait3A_28 = tpu.memref_slice %arg3[%run_scoped3A, %mul3A_4] : memref<2x320000xi32, #tpu.memory_space<hbm>> -> memref<1x10000xi32, #tpu.memory_space<hbm>>
      %dma_wait3A_29 = tpu.memref_squeeze %dma_wait3A_28 : memref<1x10000xi32, #tpu.memory_space<hbm>> -> memref<10000xi32, #tpu.memory_space<hbm>>
      %dma_wait3A_30 = tpu.memref_slice %arg3[%run_scoped3A, %mul3A_4] : memref<2x320000xi32, #tpu.memory_space<hbm>> -> memref<1x10000xi32, #tpu.memory_space<hbm>>
      %dma_wait3A_31 = tpu.memref_squeeze %dma_wait3A_30 : memref<1x10000xi32, #tpu.memory_space<hbm>> -> memref<10000xi32, #tpu.memory_space<hbm>>
      tpu.wait_dma2 semaphore(%run_scoped3A_23 : memref<!tpu.dma_semaphore, #tpu.memory_space<semaphore_mem>>) src(%dma_wait3A_31 : memref<10000xi32, #tpu.memory_space<hbm>>) dst(%arg6 : memref<10000xi32, #tpu.memory_space<vmem>>)
      tpu.yield
    }) : () -> ()
    %mul3A_5 = arith.constant 10000 : i32
    %mul3A_6 = arith.muli %add3A, %mul3A_5 : i32
    %run_scoped3A_7 = arith.constant 1 : i32
    "tpu.region"() ({
      %run_scoped3A_23 = tpu.sem_alloc : memref<!tpu.dma_semaphore, #tpu.memory_space<semaphore_mem>>
      %dma_start3A_24 = tpu.memref_slice %arg3[%run_scoped3A_7, %mul3A_6] : memref<2x320000xi32, #tpu.memory_space<hbm>> -> memref<1x10000xi32, #tpu.memory_space<hbm>>
      %dma_start3A_25 = tpu.memref_squeeze %dma_start3A_24 : memref<1x10000xi32, #tpu.memory_space<hbm>> -> memref<10000xi32, #tpu.memory_space<hbm>>
      %dma_start3A_26 = tpu.memref_slice %arg3[%run_scoped3A_7, %mul3A_6] : memref<2x320000xi32, #tpu.memory_space<hbm>> -> memref<1x10000xi32, #tpu.memory_space<hbm>>
      %dma_start3A_27 = tpu.memref_squeeze %dma_start3A_26 : memref<1x10000xi32, #tpu.memory_space<hbm>> -> memref<10000xi32, #tpu.memory_space<hbm>>
      tpu.enqueue_dma source(%dma_start3A_27 : memref<10000xi32, #tpu.memory_space<hbm>>) target(%arg7 : memref<10000xi32, #tpu.memory_space<vmem>>) target_semaphore(%run_scoped3A_23 : memref<!tpu.dma_semaphore, #tpu.memory_space<semaphore_mem>>)
      %dma_wait3A_28 = tpu.memref_slice %arg3[%run_scoped3A_7, %mul3A_6] : memref<2x320000xi32, #tpu.memory_space<hbm>> -> memref<1x10000xi32, #tpu.memory_space<hbm>>
      %dma_wait3A_29 = tpu.memref_squeeze %dma_wait3A_28 : memref<1x10000xi32, #tpu.memory_space<hbm>> -> memref<10000xi32, #tpu.memory_space<hbm>>
      %dma_wait3A_30 = tpu.memref_slice %arg3[%run_scoped3A_7, %mul3A_6] : memref<2x320000xi32, #tpu.memory_space<hbm>> -> memref<1x10000xi32, #tpu.memory_space<hbm>>
      %dma_wait3A_31 = tpu.memref_squeeze %dma_wait3A_30 : memref<1x10000xi32, #tpu.memory_space<hbm>> -> memref<10000xi32, #tpu.memory_space<hbm>>
      tpu.wait_dma2 semaphore(%run_scoped3A_23 : memref<!tpu.dma_semaphore, #tpu.memory_space<semaphore_mem>>) src(%dma_wait3A_31 : memref<10000xi32, #tpu.memory_space<hbm>>) dst(%arg7 : memref<10000xi32, #tpu.memory_space<vmem>>)
      tpu.yield
    }) : () -> ()
    %barrier3A = arith.constant 0 : index
    tpu.barrier barrier_id(%barrier3A)
    %dma_start3A = arith.constant 0 : i32
    %dma_start3A_8 = tpu.memref_slice %arg6[%dma_start3A] : memref<10000xi32, #tpu.memory_space<vmem>> -> memref<80xi32, #tpu.memory_space<vmem>>
    %dma_start3A_9 = arith.constant 0 : i32
    %dma_start3A_10 = arith.constant 0 : i32
    %dma_start3A_11 = tpu.memref_slice %arg11[%dma_start3A_9, %dma_start3A_10] : memref<10000x16xf32, #tpu.memory_space<vmem_shared>> -> memref<10000x16xf32, #tpu.memory_space<vmem_shared>>
    tpu.enqueue_indirect_dma source(%dma_start3A_11 : memref<10000x16xf32, #tpu.memory_space<vmem_shared>>) target(%arg8 : memref<80x16xf32, #tpu.memory_space<vmem>>) offsets(%dma_start3A_8 : memref<80xi32, #tpu.memory_space<vmem>>) semaphore(%arg12 : memref<!tpu.dma_semaphore, #tpu.memory_space<semaphore_mem>>)
    %scan3A = arith.constant 0 : i32
    %scan3A_12 = arith.constant 62 : i32
    %scan3A_13 = arith.addi %scan3A, %scan3A_12 : i32
    %scan3A_14 = arith.constant 1 : i32
    scf.for %scan3A_23 = %scan3A to %scan3A_13 step %scan3A_14  : i32 {
      %mul3A_24 = arith.constant 1 : i32
      %mul3A_25 = arith.muli %scan3A_23, %mul3A_24 : i32
      %add3A_26 = arith.constant 0 : i32
      %add3A_27 = arith.addi %add3A_26, %mul3A_25 : i32
      %mul3A_28 = arith.constant 2 : i32
      %mul3A_29 = arith.muli %mul3A_28, %add3A_27 : i32
      %mul3A_30 = arith.constant 80 : i32
      %mul3A_31 = arith.muli %mul3A_29, %mul3A_30 : i32
      %add3A_32 = arith.constant 80 : i32
      %add3A_33 = arith.addi %mul3A_31, %add3A_32 : i32
      %dma_start3A_34 = tpu.memref_slice %arg6[%add3A_33] : memref<10000xi32, #tpu.memory_space<vmem>> -> memref<80xi32, #tpu.memory_space<vmem>>
      %dma_start3A_35 = arith.constant 0 : i32
      %dma_start3A_36 = arith.constant 0 : i32
      %dma_start3A_37 = tpu.memref_slice %arg11[%dma_start3A_35, %dma_start3A_36] : memref<10000x16xf32, #tpu.memory_space<vmem_shared>> -> memref<10000x16xf32, #tpu.memory_space<vmem_shared>>
      tpu.enqueue_indirect_dma source(%dma_start3A_37 : memref<10000x16xf32, #tpu.memory_space<vmem_shared>>) target(%arg9 : memref<80x16xf32, #tpu.memory_space<vmem>>) offsets(%dma_start3A_34 : memref<80xi32, #tpu.memory_space<vmem>>) semaphore(%arg13 : memref<!tpu.dma_semaphore, #tpu.memory_space<semaphore_mem>>)
      %dma_wait3A_38 = tpu.memref_slice %arg6[%mul3A_31] : memref<10000xi32, #tpu.memory_space<vmem>> -> memref<80xi32, #tpu.memory_space<vmem>>
      %dma_wait3A_39 = arith.constant 0 : i32
      %dma_wait3A_40 = arith.constant 0 : i32
      %dma_wait3A_41 = tpu.memref_slice %arg11[%dma_wait3A_39, %dma_wait3A_40] : memref<10000x16xf32, #tpu.memory_space<vmem_shared>> -> memref<10000x16xf32, #tpu.memory_space<vmem_shared>>
      tpu.wait_indirect_dma semaphore(%arg12 : memref<!tpu.dma_semaphore, #tpu.memory_space<semaphore_mem>>) src(%dma_wait3A_41 : memref<10000x16xf32, #tpu.memory_space<vmem_shared>>) dst(%arg8 : memref<80x16xf32, #tpu.memory_space<vmem>>)
      "tpu.region"() ({
        %run_scoped3A_54 = tpu.sem_alloc : memref<!tpu.dma_semaphore, #tpu.memory_space<semaphore_mem>>
        %dma_start3A_55 = tpu.memref_slice %arg7[%mul3A_31] : memref<10000xi32, #tpu.memory_space<vmem>> -> memref<80xi32, #tpu.memory_space<vmem>>
        %dma_start3A_56 = arith.constant 0 : i32
        %dma_start3A_57 = arith.constant 0 : i32
        %dma_start3A_58 = tpu.memref_slice %arg10[%dma_start3A_56, %dma_start3A_57] : memref<10000x16xf32, #tpu.memory_space<vmem_shared>> -> memref<10000x16xf32, #tpu.memory_space<vmem_shared>>
        tpu.enqueue_indirect_dma source(%arg8 : memref<80x16xf32, #tpu.memory_space<vmem>>) target(%dma_start3A_58 : memref<10000x16xf32, #tpu.memory_space<vmem_shared>>) offsets(%dma_start3A_55 : memref<80xi32, #tpu.memory_space<vmem>>) semaphore(%run_scoped3A_54 : memref<!tpu.dma_semaphore, #tpu.memory_space<semaphore_mem>>) {add = true}
        %dma_wait3A_59 = tpu.memref_slice %arg7[%mul3A_31] : memref<10000xi32, #tpu.memory_space<vmem>> -> memref<80xi32, #tpu.memory_space<vmem>>
        %dma_wait3A_60 = arith.constant 0 : i32
        %dma_wait3A_61 = arith.constant 0 : i32
        %dma_wait3A_62 = tpu.memref_slice %arg10[%dma_wait3A_60, %dma_wait3A_61] : memref<10000x16xf32, #tpu.memory_space<vmem_shared>> -> memref<10000x16xf32, #tpu.memory_space<vmem_shared>>
        tpu.wait_indirect_dma semaphore(%run_scoped3A_54 : memref<!tpu.dma_semaphore, #tpu.memory_space<semaphore_mem>>) src(%arg8 : memref<80x16xf32, #tpu.memory_space<vmem>>) dst(%dma_wait3A_62 : memref<10000x16xf32, #tpu.memory_space<vmem_shared>>)
        tpu.yield
      }) : () -> ()
      %add3A_42 = arith.constant 160 : i32
      %add3A_43 = arith.addi %mul3A_31, %add3A_42 : i32
      %dma_start3A_44 = tpu.memref_slice %arg6[%add3A_43] : memref<10000xi32, #tpu.memory_space<vmem>> -> memref<80xi32, #tpu.memory_space<vmem>>
      %dma_start3A_45 = arith.constant 0 : i32
      %dma_start3A_46 = arith.constant 0 : i32
      %dma_start3A_47 = tpu.memref_slice %arg11[%dma_start3A_45, %dma_start3A_46] : memref<10000x16xf32, #tpu.memory_space<vmem_shared>> -> memref<10000x16xf32, #tpu.memory_space<vmem_shared>>
      tpu.enqueue_indirect_dma source(%dma_start3A_47 : memref<10000x16xf32, #tpu.memory_space<vmem_shared>>) target(%arg8 : memref<80x16xf32, #tpu.memory_space<vmem>>) offsets(%dma_start3A_44 : memref<80xi32, #tpu.memory_space<vmem>>) semaphore(%arg12 : memref<!tpu.dma_semaphore, #tpu.memory_space<semaphore_mem>>)
      %dma_wait3A_48 = tpu.memref_slice %arg6[%add3A_33] : memref<10000xi32, #tpu.memory_space<vmem>> -> memref<80xi32, #tpu.memory_space<vmem>>
      %dma_wait3A_49 = arith.constant 0 : i32
      %dma_wait3A_50 = arith.constant 0 : i32
      %dma_wait3A_51 = tpu.memref_slice %arg11[%dma_wait3A_49, %dma_wait3A_50] : memref<10000x16xf32, #tpu.memory_space<vmem_shared>> -> memref<10000x16xf32, #tpu.memory_space<vmem_shared>>
      tpu.wait_indirect_dma semaphore(%arg13 : memref<!tpu.dma_semaphore, #tpu.memory_space<semaphore_mem>>) src(%dma_wait3A_51 : memref<10000x16xf32, #tpu.memory_space<vmem_shared>>) dst(%arg9 : memref<80x16xf32, #tpu.memory_space<vmem>>)
      %add3A_52 = arith.constant 80 : i32
      %add3A_53 = arith.addi %mul3A_31, %add3A_52 : i32
      "tpu.region"() ({
        %run_scoped3A_54 = tpu.sem_alloc : memref<!tpu.dma_semaphore, #tpu.memory_space<semaphore_mem>>
        %dma_start3A_55 = tpu.memref_slice %arg7[%add3A_53] : memref<10000xi32, #tpu.memory_space<vmem>> -> memref<80xi32, #tpu.memory_space<vmem>>
        %dma_start3A_56 = arith.constant 0 : i32
        %dma_start3A_57 = arith.constant 0 : i32
        %dma_start3A_58 = tpu.memref_slice %arg10[%dma_start3A_56, %dma_start3A_57] : memref<10000x16xf32, #tpu.memory_space<vmem_shared>> -> memref<10000x16xf32, #tpu.memory_space<vmem_shared>>
        tpu.enqueue_indirect_dma source(%arg9 : memref<80x16xf32, #tpu.memory_space<vmem>>) target(%dma_start3A_58 : memref<10000x16xf32, #tpu.memory_space<vmem_shared>>) offsets(%dma_start3A_55 : memref<80xi32, #tpu.memory_space<vmem>>) semaphore(%run_scoped3A_54 : memref<!tpu.dma_semaphore, #tpu.memory_space<semaphore_mem>>) {add = true}
        %dma_wait3A_59 = tpu.memref_slice %arg7[%add3A_53] : memref<10000xi32, #tpu.memory_space<vmem>> -> memref<80xi32, #tpu.memory_space<vmem>>
        %dma_wait3A_60 = arith.constant 0 : i32
        %dma_wait3A_61 = arith.constant 0 : i32
        %dma_wait3A_62 = tpu.memref_slice %arg10[%dma_wait3A_60, %dma_wait3A_61] : memref<10000x16xf32, #tpu.memory_space<vmem_shared>> -> memref<10000x16xf32, #tpu.memory_space<vmem_shared>>
        tpu.wait_indirect_dma semaphore(%run_scoped3A_54 : memref<!tpu.dma_semaphore, #tpu.memory_space<semaphore_mem>>) src(%arg9 : memref<80x16xf32, #tpu.memory_space<vmem>>) dst(%dma_wait3A_62 : memref<10000x16xf32, #tpu.memory_space<vmem_shared>>)
        tpu.yield
      }) : () -> ()
    }
    %scan3A_15 = arith.constant 62 : i32
    %dma_wait3A = arith.constant 9920 : i32
    %dma_wait3A_16 = tpu.memref_slice %arg6[%dma_wait3A] : memref<10000xi32, #tpu.memory_space<vmem>> -> memref<80xi32, #tpu.memory_space<vmem>>
    %dma_wait3A_17 = arith.constant 0 : i32
    %dma_wait3A_18 = arith.constant 0 : i32
    %dma_wait3A_19 = tpu.memref_slice %arg11[%dma_wait3A_17, %dma_wait3A_18] : memref<10000x16xf32, #tpu.memory_space<vmem_shared>> -> memref<10000x16xf32, #tpu.memory_space<vmem_shared>>
    tpu.wait_indirect_dma semaphore(%arg12 : memref<!tpu.dma_semaphore, #tpu.memory_space<semaphore_mem>>) src(%dma_wait3A_19 : memref<10000x16xf32, #tpu.memory_space<vmem_shared>>) dst(%arg8 : memref<80x16xf32, #tpu.memory_space<vmem>>)
    "tpu.region"() ({
      %run_scoped3A_23 = tpu.sem_alloc : memref<!tpu.dma_semaphore, #tpu.memory_space<semaphore_mem>>
      %dma_start3A_24 = arith.constant 9920 : i32
      %dma_start3A_25 = tpu.memref_slice %arg7[%dma_start3A_24] : memref<10000xi32, #tpu.memory_space<vmem>> -> memref<80xi32, #tpu.memory_space<vmem>>
      %dma_start3A_26 = arith.constant 0 : i32
      %dma_start3A_27 = arith.constant 0 : i32
      %dma_start3A_28 = tpu.memref_slice %arg10[%dma_start3A_26, %dma_start3A_27] : memref<10000x16xf32, #tpu.memory_space<vmem_shared>> -> memref<10000x16xf32, #tpu.memory_space<vmem_shared>>
      tpu.enqueue_indirect_dma source(%arg8 : memref<80x16xf32, #tpu.memory_space<vmem>>) target(%dma_start3A_28 : memref<10000x16xf32, #tpu.memory_space<vmem_shared>>) offsets(%dma_start3A_25 : memref<80xi32, #tpu.memory_space<vmem>>) semaphore(%run_scoped3A_23 : memref<!tpu.dma_semaphore, #tpu.memory_space<semaphore_mem>>) {add = true}
      %dma_wait3A_29 = arith.constant 9920 : i32
      %dma_wait3A_30 = tpu.memref_slice %arg7[%dma_wait3A_29] : memref<10000xi32, #tpu.memory_space<vmem>> -> memref<80xi32, #tpu.memory_space<vmem>>
      %dma_wait3A_31 = arith.constant 0 : i32
      %dma_wait3A_32 = arith.constant 0 : i32
      %dma_wait3A_33 = tpu.memref_slice %arg10[%dma_wait3A_31, %dma_wait3A_32] : memref<10000x16xf32, #tpu.memory_space<vmem_shared>> -> memref<10000x16xf32, #tpu.memory_space<vmem_shared>>
      tpu.wait_indirect_dma semaphore(%run_scoped3A_23 : memref<!tpu.dma_semaphore, #tpu.memory_space<semaphore_mem>>) src(%arg8 : memref<80x16xf32, #tpu.memory_space<vmem>>) dst(%dma_wait3A_33 : memref<10000x16xf32, #tpu.memory_space<vmem_shared>>)
      tpu.yield
    }) : () -> ()
    %barrier3A_20 = arith.constant 0 : index
    tpu.barrier barrier_id(%barrier3A_20)
    %mul3A_21 = arith.constant 64 : i32
    %mul3A_22 = arith.muli %mul3A_21, %arg0 : i32
    "tpu.region"() ({
      %run_scoped3A_23 = tpu.sem_alloc : memref<!tpu.dma_semaphore, #tpu.memory_space<semaphore_mem>>
      %dma_start3A_24 = tpu.memref_slice %arg5[%mul3A_2, %mul3A_22] : memref<10000x128xf32, #tpu.memory_space<hbm>> -> memref<625x16xf32, #tpu.memory_space<hbm>>
      %dma_start3A_25 = arith.constant 0 : i32
      %dma_start3A_26 = tpu.memref_slice %arg10[%mul3A_2, %dma_start3A_25] : memref<10000x16xf32, #tpu.memory_space<vmem_shared>> -> memref<625x16xf32, #tpu.memory_space<vmem_shared>>
      tpu.enqueue_dma source(%dma_start3A_26 : memref<625x16xf32, #tpu.memory_space<vmem_shared>>) target(%dma_start3A_24 : memref<625x16xf32, #tpu.memory_space<hbm>>) target_semaphore(%run_scoped3A_23 : memref<!tpu.dma_semaphore, #tpu.memory_space<semaphore_mem>>)
      %dma_wait3A_27 = tpu.memref_slice %arg5[%mul3A_2, %mul3A_22] : memref<10000x128xf32, #tpu.memory_space<hbm>> -> memref<625x16xf32, #tpu.memory_space<hbm>>
      %dma_wait3A_28 = arith.constant 0 : i32
      %dma_wait3A_29 = tpu.memref_slice %arg10[%mul3A_2, %dma_wait3A_28] : memref<10000x16xf32, #tpu.memory_space<vmem_shared>> -> memref<625x16xf32, #tpu.memory_space<vmem_shared>>
      tpu.wait_dma2 semaphore(%run_scoped3A_23 : memref<!tpu.dma_semaphore, #tpu.memory_space<semaphore_mem>>) src(%dma_wait3A_29 : memref<625x16xf32, #tpu.memory_space<vmem_shared>>) dst(%dma_wait3A_27 : memref<625x16xf32, #tpu.memory_space<hbm>>)
      tpu.yield
    }) : () -> ()
    return
  }
}

module attributes {stable_mosaic.version = 14 : i64} {
  func.func @body(%arg0: memref<10000x128xf32, #tpu.memory_space<vmem>>, %arg1: memref<10000x64xf32, #tpu.memory_space<vmem>>, %arg2: memref<10000x128xf32, #tpu.memory_space<vmem>>, %arg3: memref<10000x1xf32, #tpu.memory_space<vmem>>) attributes {dimension_semantics = [], scalar_prefetch = 0 : i64, scratch_operands = 0 : i64, tpu.core_type = #tpu.core_type<tc>} {
    %get3A = arith.constant 0 : index
    %get3A_0 = arith.constant 0 : index
    %get3A_1 = vector.load %arg0[%get3A, %get3A_0] : memref<10000x128xf32, #tpu.memory_space<vmem>>, vector<10000x1xf32>
    %get3A_2 = arith.constant 0 : index
    %get3A_3 = arith.constant 64 : index
    %get3A_4 = vector.load %arg0[%get3A_2, %get3A_3] : memref<10000x128xf32, #tpu.memory_space<vmem>>, vector<10000x1xf32>
    %add3A = arith.addf %get3A_1, %get3A_4 : vector<10000x1xf32>
    %add3A_5 = arith.constant 1.000000e+00 : f32
    %add3A_6 = vector.broadcast %add3A_5 : f32 to vector<10000x1xf32>
    %add3A_7 = arith.addf %add3A, %add3A_6 : vector<10000x1xf32>
    %rsqrt3A = math.rsqrt %add3A_7 : vector<10000x1xf32>
    %get3A_8 = arith.constant 0 : index
    %get3A_9 = arith.constant 0 : index
    %get3A_10 = vector.load %arg1[%get3A_8, %get3A_9] : memref<10000x64xf32, #tpu.memory_space<vmem>>, vector<10000x64xf32>
    %mul3A = vector.broadcast %rsqrt3A : vector<10000x1xf32> to vector<10000x64xf32>
    %mul3A_11 = arith.mulf %get3A_10, %mul3A : vector<10000x64xf32>
    %swap3A = arith.constant 0 : index
    %swap3A_12 = arith.constant 0 : index
    %swap3A_13 = vector.load %arg2[%swap3A, %swap3A_12] : memref<10000x128xf32, #tpu.memory_space<vmem>>, vector<10000x64xf32>
    tpu.vector_store %arg2[%swap3A, %swap3A_12], %mul3A_11 {strides = array<i32>} : memref<10000x128xf32, #tpu.memory_space<vmem>>, vector<10000x64xf32>,
    %swap3A_14 = arith.constant 0 : index
    %swap3A_15 = arith.constant 0 : index
    %swap3A_16 = vector.load %arg3[%swap3A_14, %swap3A_15] : memref<10000x1xf32, #tpu.memory_space<vmem>>, vector<10000x1xf32>
    tpu.vector_store %arg3[%swap3A_14, %swap3A_15], %rsqrt3A {strides = array<i32>} : memref<10000x1xf32, #tpu.memory_space<vmem>>, vector<10000x1xf32>,
    return
  }
}

module attributes {stable_mosaic.version = 14 : i64} {
  func.func @body(%arg0: memref<10000x128xf32, #tpu.memory_space<vmem>>, %arg1: memref<128x64xf32, #tpu.memory_space<vmem>>, %arg2: memref<10000x64xf32, #tpu.memory_space<vmem>>) attributes {dimension_semantics = [], scalar_prefetch = 0 : i64, scratch_operands = 0 : i64, tpu.core_type = #tpu.core_type<tc>} {
    %get3A = arith.constant 0 : index
    %get3A_0 = arith.constant 0 : index
    %get3A_1 = vector.load %arg0[%get3A, %get3A_0] : memref<10000x128xf32, #tpu.memory_space<vmem>>, vector<10000x128xf32>
    %get3A_2 = arith.constant 0 : index
    %get3A_3 = arith.constant 0 : index
    %get3A_4 = vector.load %arg1[%get3A_2, %get3A_3] : memref<128x64xf32, #tpu.memory_space<vmem>>, vector<128x64xf32>
    %dot_general3A = arith.constant dense<0.000000e+00> : vector<10000x64xf32>
    %dot_general3A_5 = tpu.matmul %get3A_1, %get3A_4, %dot_general3A {dimension_numbers = #tpu.dot_dimension_numbers<[1], [0], [0], [1], [0, 0, 1, 1], [], []>, transpose_lhs_hint = false} : vector<10000x128xf32>, vector<128x64xf32>, vector<10000x64xf32> -> vector<10000x64xf32>
    %swap3A = arith.constant 0 : index
    %swap3A_6 = arith.constant 0 : index
    %swap3A_7 = vector.load %arg2[%swap3A, %swap3A_6] : memref<10000x64xf32, #tpu.memory_space<vmem>>, vector<10000x64xf32>
    tpu.vector_store %arg2[%swap3A, %swap3A_6], %dot_general3A_5 {strides = array<i32>} : memref<10000x64xf32, #tpu.memory_space<vmem>>, vector<10000x64xf32>,
    return
  }
}

module attributes {stable_mosaic.version = 14 : i64} {
  func.func @body(%arg0: memref<10000x128xf32, #tpu.memory_space<vmem>>, %arg1: memref<10000x128xf32, #tpu.memory_space<vmem>>, %arg2: memref<10000x1xf32, #tpu.memory_space<vmem>>, %arg3: memref<1x64xf32, #tpu.memory_space<vmem>>, %arg4: memref<64x64xf32, #tpu.memory_space<vmem>>, %arg5: memref<10000x128xf32, #tpu.memory_space<vmem>>) attributes {dimension_semantics = [], scalar_prefetch = 0 : i64, scratch_operands = 0 : i64, tpu.core_type = #tpu.core_type<tc>} {
    %get3A = arith.constant 0 : index
    %get3A_0 = arith.constant 0 : index
    %get3A_1 = vector.load %arg0[%get3A, %get3A_0] : memref<10000x128xf32, #tpu.memory_space<vmem>>, vector<10000x64xf32>
    %get3A_2 = arith.constant 0 : index
    %get3A_3 = arith.constant 64 : index
    %get3A_4 = vector.load %arg0[%get3A_2, %get3A_3] : memref<10000x128xf32, #tpu.memory_space<vmem>>, vector<10000x64xf32>
    %add3A = arith.addf %get3A_1, %get3A_4 : vector<10000x64xf32>
    %get3A_5 = arith.constant 0 : index
    %get3A_6 = arith.constant 0 : index
    %get3A_7 = vector.load %arg1[%get3A_5, %get3A_6] : memref<10000x128xf32, #tpu.memory_space<vmem>>, vector<10000x64xf32>
    %add3A_8 = arith.addf %add3A, %get3A_7 : vector<10000x64xf32>
    %get3A_9 = arith.constant 0 : index
    %get3A_10 = arith.constant 0 : index
    %get3A_11 = vector.load %arg2[%get3A_9, %get3A_10] : memref<10000x1xf32, #tpu.memory_space<vmem>>, vector<10000x1xf32>
    %mul3A = vector.broadcast %get3A_11 : vector<10000x1xf32> to vector<10000x64xf32>
    %mul3A_12 = arith.mulf %mul3A, %add3A_8 : vector<10000x64xf32>
    %get3A_13 = arith.constant 0 : index
    %get3A_14 = arith.constant 0 : index
    %get3A_15 = vector.load %arg3[%get3A_13, %get3A_14] : memref<1x64xf32, #tpu.memory_space<vmem>>, vector<1x64xf32>
    %add3A_16 = vector.broadcast %get3A_15 : vector<1x64xf32> to vector<10000x64xf32>
    %add3A_17 = arith.addf %mul3A_12, %add3A_16 : vector<10000x64xf32>
    %max3A = arith.constant 0.000000e+00 : f32
    %max3A_18 = vector.broadcast %max3A : f32 to vector<10000x64xf32>
    %max3A_19 = arith.maximumf %add3A_17, %max3A_18 : vector<10000x64xf32>
    %get3A_20 = arith.constant 0 : index
    %get3A_21 = arith.constant 0 : index
    %get3A_22 = vector.load %arg4[%get3A_20, %get3A_21] : memref<64x64xf32, #tpu.memory_space<vmem>>, vector<64x64xf32>
    %dot_general3A = arith.constant dense<0.000000e+00> : vector<10000x64xf32>
    %dot_general3A_23 = tpu.matmul %max3A_19, %get3A_22, %dot_general3A {dimension_numbers = #tpu.dot_dimension_numbers<[1], [0], [0], [1], [0, 0, 1, 1], [], []>, transpose_lhs_hint = false} : vector<10000x64xf32>, vector<64x64xf32>, vector<10000x64xf32> -> vector<10000x64xf32>
    %get3A_24 = arith.constant 0 : index
    %get3A_25 = arith.constant 0 : index
    %get3A_26 = vector.load %arg2[%get3A_24, %get3A_25] : memref<10000x1xf32, #tpu.memory_space<vmem>>, vector<10000x1xf32>
    %mul3A_27 = vector.broadcast %get3A_26 : vector<10000x1xf32> to vector<10000x64xf32>
    %mul3A_28 = arith.mulf %dot_general3A_23, %mul3A_27 : vector<10000x64xf32>
    %swap3A = arith.constant 0 : index
    %swap3A_29 = arith.constant 0 : index
    %swap3A_30 = vector.load %arg5[%swap3A, %swap3A_29] : memref<10000x128xf32, #tpu.memory_space<vmem>>, vector<10000x64xf32>
    tpu.vector_store %arg5[%swap3A, %swap3A_29], %mul3A_28 {strides = array<i32>} : memref<10000x128xf32, #tpu.memory_space<vmem>>, vector<10000x64xf32>,
    return
  }
}

module attributes {stable_mosaic.version = 14 : i64} {
  func.func @body(%arg0: memref<10000x128xf32, #tpu.memory_space<vmem>>, %arg1: memref<10000x128xf32, #tpu.memory_space<vmem>>, %arg2: memref<10000x1xf32, #tpu.memory_space<vmem>>, %arg3: memref<1x64xf32, #tpu.memory_space<vmem>>, %arg4: memref<64x16xf32, #tpu.memory_space<vmem>>, %arg5: memref<10000x128xf32, #tpu.memory_space<vmem>>) attributes {dimension_semantics = [], scalar_prefetch = 0 : i64, scratch_operands = 0 : i64, tpu.core_type = #tpu.core_type<tc>} {
    %get3A = arith.constant 0 : index
    %get3A_0 = arith.constant 0 : index
    %get3A_1 = vector.load %arg0[%get3A, %get3A_0] : memref<10000x128xf32, #tpu.memory_space<vmem>>, vector<10000x64xf32>
    %get3A_2 = arith.constant 0 : index
    %get3A_3 = arith.constant 64 : index
    %get3A_4 = vector.load %arg0[%get3A_2, %get3A_3] : memref<10000x128xf32, #tpu.memory_space<vmem>>, vector<10000x64xf32>
    %add3A = arith.addf %get3A_1, %get3A_4 : vector<10000x64xf32>
    %get3A_5 = arith.constant 0 : index
    %get3A_6 = arith.constant 0 : index
    %get3A_7 = vector.load %arg1[%get3A_5, %get3A_6] : memref<10000x128xf32, #tpu.memory_space<vmem>>, vector<10000x64xf32>
    %add3A_8 = arith.addf %add3A, %get3A_7 : vector<10000x64xf32>
    %get3A_9 = arith.constant 0 : index
    %get3A_10 = arith.constant 0 : index
    %get3A_11 = vector.load %arg2[%get3A_9, %get3A_10] : memref<10000x1xf32, #tpu.memory_space<vmem>>, vector<10000x1xf32>
    %mul3A = vector.broadcast %get3A_11 : vector<10000x1xf32> to vector<10000x64xf32>
    %mul3A_12 = arith.mulf %mul3A, %add3A_8 : vector<10000x64xf32>
    %get3A_13 = arith.constant 0 : index
    %get3A_14 = arith.constant 0 : index
    %get3A_15 = vector.load %arg3[%get3A_13, %get3A_14] : memref<1x64xf32, #tpu.memory_space<vmem>>, vector<1x64xf32>
    %add3A_16 = vector.broadcast %get3A_15 : vector<1x64xf32> to vector<10000x64xf32>
    %add3A_17 = arith.addf %mul3A_12, %add3A_16 : vector<10000x64xf32>
    %max3A = arith.constant 0.000000e+00 : f32
    %max3A_18 = vector.broadcast %max3A : f32 to vector<10000x64xf32>
    %max3A_19 = arith.maximumf %add3A_17, %max3A_18 : vector<10000x64xf32>
    %get3A_20 = arith.constant 0 : index
    %get3A_21 = arith.constant 0 : index
    %get3A_22 = vector.load %arg4[%get3A_20, %get3A_21] : memref<64x16xf32, #tpu.memory_space<vmem>>, vector<64x16xf32>
    %dot_general3A = arith.constant dense<0.000000e+00> : vector<10000x16xf32>
    %dot_general3A_23 = tpu.matmul %max3A_19, %get3A_22, %dot_general3A {dimension_numbers = #tpu.dot_dimension_numbers<[1], [0], [0], [1], [0, 0, 1, 1], [], []>, transpose_lhs_hint = false} : vector<10000x64xf32>, vector<64x16xf32>, vector<10000x16xf32> -> vector<10000x16xf32>
    %get3A_24 = arith.constant 0 : index
    %get3A_25 = arith.constant 0 : index
    %get3A_26 = vector.load %arg2[%get3A_24, %get3A_25] : memref<10000x1xf32, #tpu.memory_space<vmem>>, vector<10000x1xf32>
    %mul3A_27 = vector.broadcast %get3A_26 : vector<10000x1xf32> to vector<10000x16xf32>
    %mul3A_28 = arith.mulf %dot_general3A_23, %mul3A_27 : vector<10000x16xf32>
    %swap3A = arith.constant 0 : index
    %swap3A_29 = arith.constant 0 : index
    %swap3A_30 = vector.load %arg5[%swap3A, %swap3A_29] : memref<10000x128xf32, #tpu.memory_space<vmem>>, vector<10000x16xf32>
    tpu.vector_store %arg5[%swap3A, %swap3A_29], %mul3A_28 {strides = array<i32>} : memref<10000x128xf32, #tpu.memory_space<vmem>>, vector<10000x16xf32>,
    return
  }
}

module attributes {stable_mosaic.version = 14 : i64} {
  func.func @body(%arg0: memref<10000x128xf32, #tpu.memory_space<vmem>>, %arg1: memref<10000x128xf32, #tpu.memory_space<vmem>>, %arg2: memref<10000x1xf32, #tpu.memory_space<vmem>>, %arg3: memref<1x1xf32, #tpu.memory_space<vmem>>, %arg4: memref<10000x1xf32, #tpu.memory_space<vmem>>) attributes {dimension_semantics = [], scalar_prefetch = 0 : i64, scratch_operands = 0 : i64, tpu.core_type = #tpu.core_type<tc>} {
    %get3A = arith.constant 0 : index
    %get3A_0 = arith.constant 0 : index
    %get3A_1 = vector.load %arg0[%get3A, %get3A_0] : memref<10000x128xf32, #tpu.memory_space<vmem>>, vector<10000x1xf32>
    %get3A_2 = arith.constant 0 : index
    %get3A_3 = arith.constant 64 : index
    %get3A_4 = vector.load %arg0[%get3A_2, %get3A_3] : memref<10000x128xf32, #tpu.memory_space<vmem>>, vector<10000x1xf32>
    %add3A = arith.addf %get3A_1, %get3A_4 : vector<10000x1xf32>
    %get3A_5 = arith.constant 0 : index
    %get3A_6 = arith.constant 0 : index
    %get3A_7 = vector.load %arg1[%get3A_5, %get3A_6] : memref<10000x128xf32, #tpu.memory_space<vmem>>, vector<10000x1xf32>
    %add3A_8 = arith.addf %add3A, %get3A_7 : vector<10000x1xf32>
    %get3A_9 = arith.constant 0 : index
    %get3A_10 = arith.constant 0 : index
    %get3A_11 = vector.load %arg2[%get3A_9, %get3A_10] : memref<10000x1xf32, #tpu.memory_space<vmem>>, vector<10000x1xf32>
    %mul3A = arith.mulf %get3A_11, %add3A_8 : vector<10000x1xf32>
    %get3A_12 = arith.constant 0 : index
    %get3A_13 = arith.constant 0 : index
    %get3A_14 = vector.load %arg3[%get3A_12, %get3A_13] : memref<1x1xf32, #tpu.memory_space<vmem>>, vector<1x1xf32>
    %add3A_15 = vector.broadcast %get3A_14 : vector<1x1xf32> to vector<10000x1xf32>
    %add3A_16 = arith.addf %mul3A, %add3A_15 : vector<10000x1xf32>
    %swap3A = arith.constant 0 : index
    %swap3A_17 = arith.constant 0 : index
    %swap3A_18 = vector.load %arg4[%swap3A, %swap3A_17] : memref<10000x1xf32, #tpu.memory_space<vmem>>, vector<10000x1xf32>
    tpu.vector_store %arg4[%swap3A, %swap3A_17], %add3A_16 {strides = array<i32>} : memref<10000x1xf32, #tpu.memory_space<vmem>>, vector<10000x1xf32>,
    return
  }
}

</mosaic_0001>

<sc_bundles>
// kernel: kernel.11.cloned.1.call-start
scs
__scs_entry_jumppad:
0x0: {  	(pc) =	sbr.rel $0x88, $3  }
0x1: {  	(tag) =	ssettag $0x0;
	lr =	simm.s32 $0x1  }
0x2: {  	[smem:$0x3F99] =	sst lr;
	_ =	strace $0xD0000000  }
0x3: {  	_ = 	snop  }
0x4: {  	_ = 	snop  }
0x5: {  	_ = 	snop  }
0x6: {  	_ = 	snop  }
0x7: {  	_ = 	snop  }
__scs_overlays_trampoline_lowered:
0x8: {  	[smem:$0x3FA8] =	sst s0  }
0x9: {  	[smem:$0x3FA9] =	sst s1  }
0xa: {  	[smem:$0x3FAA] =	sst s2  }
0xb: {  	[smem:$0x3FAB] =	sst s3  }
0xc: {  	[smem:$0x3FAC] =	sst s4  }
0xd: {  	[smem:$0x3FAD] =	sst s5  }
0xe: {  	[smem:$0x3FAE] =	sst s6  }
0xf: {  	[smem:$0x3FAF] =	sst s7  }
0x10: {  	[smem:$0x3FB0] =	sst s8  }
0x11: {  	[smem:$0x3FB1] =	sst s9;
	s0 =	simm.s32 @!p0 $0x0  }
0x12: {  	s1 =	sld [smem:$0x3F97];
	s0 =	simm.s32 @p0 $0x1  }
0x13: {  	[smem:$0x3FB2] =	sst s0;
	s0 =	simm.s32 @!p1 $0x0  }
0x14: {  	s2 =	sld [smem:$0x3F96];
	s0 =	simm.s32 @p1 $0x1  }
0x15: {  	[smem:$0x3FB3] =	sst s0;
	s0 =	simm.s32 @!p2 $0x0  }
0x16: {  	s3 =	sld [smem:$0x3FDB];
	s0 =	simm.s32 @p2 $0x1  }
0x17: {  	s4 =	simm.s32 $0x1BF5;
	[smem:$0x3FB5] =	sst s0  }
0x18: {  	s0 =	sld [smem:$0x3F98];
	_ =	swait.ge [sflag:s4], $0x0  }
0x19: {  	s7 =	sld [smem:$0x3F99]  }
0x1a: {  	s8 =	sadd.s32 $0xFFFFE003, lr  }
0x1b: {  	s9 =	sadd.s32 $0xFFFFFEF7, lr;
	s5 =	simm.s32 $0xFFFFFFFF;
	p2 =	slt.u32 s8, $0xFFFFF086  }
0x1c: {  	p1 =	slt.u32 s9, $0xF7A;
	s5 =	simm.s32 @!p2 $0x0  }
0x1d: {  	s5 =	simm.s32 @p1 $0x1;
	p0 =	seq.s32 s7, s2  }
0x1e: {  	s7 =	smul.u32 @!p0 $0xF7A, s2;
	p2 =	seq.s32 @!p0 s5, $0x0  }
0x1f: {  	s9 =	smul.u32 $0xF7A, s1;
	s8 =	simm.s32 @!p0 $0x1BF5;
	p2 =	por !p2, p0  }
0x20: {  	[sflag:s8] =	ssyncset.s32 @!p0 $0xFFFFF086;
	s6 =	sadd.s32 @!p0 s3, s7;
	s7 =	simm.s32 @!p0 $0x108  }
0x21: {  	s3 =	sadd.s32 s3, s9;
	s6 =	sadd.s32 @!p0 $0x88, s6;
	s7 =	simm.s32 @p2 $0x1082  }
0x22: {  	[simem:s7], [sflag:s8] =	dma.local @!p0 [hbm:s6], $0xF7A  }
0x23: {  	s9 =	sor.u32 $0xD0000000, s2;
	s6 =	simm.s32 $0x108;
	_ =	swait.ge @!p0 [sflag:s8], $0x0  }
0x24: {  	s3 =	sadd.s32 $0x88, s3;
	s6 =	simm.s32 @!p1 $0x1082;
	[sflag:s4] =	ssyncset.s32 $0xFFFFF086  }
0x25: {  	[simem:s6], [sflag:s4] =	dma.local [hbm:s3], $0xF7A  }
0x26: {  	[smem:$0x3F99] =	sst s1;
	(tag) =	ssettag s2;
	_ =	strace s9  }
0x27: {  	s1 =	sld [smem:$0x3FA9]  }
0x28: {  	s2 =	sld [smem:$0x3FAA]  }
0x29: {  	s4 =	sld [smem:$0x3FAC]  }
0x2a: {  	p0 =	seq.s32 s5, $0x0;
	s5 =	sld [smem:$0x3FAD]  }
0x2b: {  	s6 =	sld [smem:$0x3FAE]  }
0x2c: {  	s7 =	sld [smem:$0x3FAF]  }
0x2d: {  	s3 =	simm.s32 $0x108;
	s8 =	sld [smem:$0x3FB0]  }
0x2e: {  	s3 =	simm.s32 @!p0 $0x1082;
	s9 =	sld [smem:$0x3FB1]  }
0x2f: {  	lr =	sadd.s32 s0, s3;
	s0 =	sld [smem:$0x3FA8]  }
0x30: {  	s3 =	sld [smem:$0x3FAB]  }
0x31: {  	[smem:$0x3FB4] =	sst s10  }
0x32: {  	s10 =	sld [smem:$0x3FB2];
	_ =	sdelay $0x3  }
0x33: {  	p0 =	seq.s32 s10, $0x1;
	s10 =	sld [smem:$0x3FB4];
	_ =	sdelay $0x3  }
0x34: {  	[smem:$0x3FB4] =	sst s10  }
0x35: {  	s10 =	sld [smem:$0x3FB3];
	_ =	sdelay $0x3  }
0x36: {  	p1 =	seq.s32 s10, $0x1;
	s10 =	sld [smem:$0x3FB4];
	_ =	sdelay $0x3  }
0x37: {  	[smem:$0x3FB4] =	sst s10  }
0x38: {  	s10 =	sld [smem:$0x3FB5]  }
0x39: {  	_ = 	snop;
	(pc) =	sbr.ind lr, $3  }
0x3a: {  	_ = 	snop  }
0x3b: {  	_ = 	snop  }
0x3c: {  	p2 =	seq.s32 s10, $0x1;
	s10 =	sld [smem:$0x3FB4]  }
0x3d: {  	_ =	shalt  }
0x3e: {  	_ =	shalt  }
0x3f: {  	_ =	shalt  }
0x40: {  	_ =	shalt  }
0x41: {  	_ =	shalt  }
0x42: {  	_ =	shalt  }
0x43: {  	_ =	shalt  }
0x44: {  	_ =	shalt  }
0x45: {  	_ =	shalt  }
0x46: {  	_ =	shalt  }
0x47: {  	_ =	shalt  }
0x48: {  	_ =	shalt  }
0x49: {  	_ =	shalt  }
0x4a: {  	_ =	shalt  }
0x4b: {  	_ =	shalt  }
0x4c: {  	_ =	shalt  }
0x4d: {  	_ =	shalt  }
0x4e: {  	_ =	shalt  }
0x4f: {  	_ =	shalt  }
0x50: {  	_ =	shalt  }
0x51: {  	_ =	shalt  }
0x52: {  	_ =	shalt  }
0x53: {  	_ =	shalt  }
0x54: {  	_ =	shalt  }
0x55: {  	_ =	shalt  }
0x56: {  	_ =	shalt  }
0x57: {  	_ =	shalt  }
0x58: {  	_ =	shalt  }
0x59: {  	_ =	shalt  }
0x5a: {  	_ =	shalt  }
0x5b: {  	_ =	shalt  }
0x5c: {  	_ =	shalt  }
0x5d: {  	_ =	shalt  }
0x5e: {  	_ =	shalt  }
0x5f: {  	_ =	shalt  }
0x60: {  	_ =	shalt  }
0x61: {  	_ =	shalt  }
0x62: {  	_ =	shalt  }
0x63: {  	_ =	shalt  }
0x64: {  	_ =	shalt  }
0x65: {  	_ =	shalt  }
0x66: {  	_ =	shalt  }
0x67: {  	_ =	shalt  }
0x68: {  	_ =	shalt  }
0x69: {  	_ =	shalt  }
0x6a: {  	_ =	shalt  }
0x6b: {  	_ =	shalt  }
0x6c: {  	_ =	shalt  }
0x6d: {  	_ =	shalt  }
0x6e: {  	_ =	shalt  }
0x6f: {  	_ =	shalt  }
0x70: {  	_ =	shalt  }
0x71: {  	_ =	shalt  }
0x72: {  	_ =	shalt  }
0x73: {  	_ =	shalt  }
0x74: {  	_ =	shalt  }
0x75: {  	_ =	shalt  }
0x76: {  	_ =	shalt  }
0x77: {  	_ =	shalt  }
0x78: {  	_ =	shalt  }
0x79: {  	_ =	shalt  }
0x7a: {  	_ =	shalt  }
0x7b: {  	_ =	shalt  }
0x7c: {  	_ =	shalt  }
0x7d: {  	_ =	shalt  }
0x7e: {  	_ =	shalt  }
0x7f: {  	_ =	shalt  }
0x80: {  	_ =	shalt  }
0x81: {  	_ =	shalt  }
0x82: {  	_ =	shalt  }
0x83: {  	_ =	shalt  }
0x84: {  	_ =	shalt  }
0x85: {  	_ =	shalt  }
0x86: {  	_ =	shalt  }
0x87: {  	_ =	shalt  }
.Lfunc_end0:
.L_simem_size_0:
called_computation_lowered:
.L_overlay_start_0:
0x88: {  	s2 =	sld [smem:$0x3FD9]  }
0x89: {  	s3 =	sld [smem:$0x3FFE];
	_ =	sdelay $0x1  }
0x8a: {  	s1 =	srdreg.scid  }
0x8b: {  	s0 =	sand.u32 $0x1, s1  }
0x8c: {  	s17 =	sshll.u32 s0, $0xA;
	s2 =	sadd.s32 s3, s2  }
0x8d: {  	s2 =	sadd.s32 s2, s17  }
0x8e: {  	[smem:$0x3FC0] =	sst s2  }
0x8f: {  	_ = 	snop  }
0x90: {  	s2 =	sld [smem:$0x3FD0];
	(tm) =	ssettm $0x1  }
0x91: {  	s18 =	sld [smem:$0x3FFB];
	_ =	sdelay $0x3  }
0x92: {  	_ =	strace s18  }
0x93: {  	s3 =	sld [smem:$0x3FFC];
	_ =	sdelay $0x3  }
0x94: {  	_ =	strace s3  }
0x95: {  	s3 =	sld [smem:$0x3FFD];
	_ =	sdelay $0x3  }
0x96: {  	_ =	strace s3  }
0x97: {  	_ =	strace $0x8FFFFFFF  }
0x98: {  	s19 =	sld [smem:$0x3FDB];
	_ =	sdelay $0x1  }
0x99: {  	s4 =	simm.s32 $_scs_section_size  }
0x9a: {  	s5 =	simm.s32 $_size__tile_overlayer_lowered;
	s6 =	simm.s32 $_tile_overlayer_lowered  }
0x9b: {  	s22 =	simm.s32 $0x1BFF;
	s21 =	sshll.u32 s6, $0x1;
	s3 =	sadd.s32 s4, s19  }
0x9c: {  	s7 =	simm.s32 $0x0;
	s20 =	sshll.u32 s5, $0x1;
	s5 =	sadd.s32 s21, s3  }
0x9d: {  	[timem:s7], [sflag:s22] =	dma.local [hbm:s5], s20  }
0x9e: {  	_ =	swait.ge [sflag:s22], s20  }
0x9f: {  	s4 =	ssub.s32 $0x0, s20;
	[sflag:s22] =	ssyncset.done $0x0  }
0xa0: {  	[sflag:s22] =	ssyncadd.s32 s4;
	_ =	sdelay $0x1  }
0xa1: {  	s23 =	simm.s32 $0x1B8B  }
0xa2: {  	_ =	swait.ge [sflag:s23], $0x1  }
0xa3: {  	[sflag:s23] =	ssyncset.done $0x0  }
0xa4: {  	s25 =	simm.s32 $0x1B8E;
	s24 =	sld [smem:$0x3FFE];
	[sflag:s23] =	ssyncadd.s32 $0xFFFFFFFF  }
0xa5: {  	s26 =	simm.s32 $execute0_lowered;
	[smem:$0x3FD2] =	sst s25  }
0xa6: {  	s5 =	sshll.u32 s26, $0x1;
	_ =	strace $0x80000046;
	[dreg:$0x1] =	wrdreg $0xFFFFFFFF  }
0xa7: {  	s28 =	simm.s32 $_size_execute0_lowered;
	s3 =	sadd.s32 s3, s5;
	[dreg:$0x0] =	wrdreg $0x0  }
0xa8: {  	s5 =	sshll.u32 s28, $0x1;
	[dreg:$0x2] =	wrdreg s3  }
0xa9: {  	[dreg:$0x3] =	wrdreg s5  }
0xaa: {  	[dreg:$0x4] =	wrdreg $0xC0  }
0xab: {  	_ =	task [dreg:s7], $0x5FFFF  }
0xac: {  	[dreg:$0x1] =	wrdreg $0xFFFFFFFF  }
0xad: {  	[dreg:$0x0] =	wrdreg $0x60  }
0xae: {  	[dreg:$0x2] =	wrdreg s24  }
0xaf: {  	[dreg:$0x3] =	wrdreg s2  }
0xb0: {  	[dreg:$0x4] =	wrdreg $0x2C100  }
0xb1: {  	[dreg:$0x5] =	wrdreg $0x9  }
0xb2: {  	_ =	task.clear_ibuf [dreg:s7], $0x6FFFF;
	_ =	strace $0x90000046  }
0xb3: {  	s29 =	simm.s32 $0x9;
	_ =	strace $0x80000048  }
0xb4: {  	_ =	swait.ge [sflag:s29], $0x1  }
0xb5: {  	[sflag:s29] =	ssyncadd.s32 $0xFFFFFFFF  }
0xb6: {  	_ =	strace $0x90000048  }
0xb7: {  	_ =	sfence  }
0xb8: {  	s30 =	sld [smem:$0x0];
	_ =	sdelay $0x2  }
0xb9: {  	s31 =	sshll.u32 s1, $0xD;
	s1 =	sshrl.u32 s1, $0x2  }
0xba: {  	s3 =	sand.u32 $0x4000, s31;
	s1 =	sadd.s32 s1, s30  }
0xbb: {  	s0 =	sor.u32 s3, s0;
	s1 =	sshll.u32 s1, $0x11  }
0xbc: {  	s0 =	sor.u32 s1, s0  }
0xbd: {  	s0 =	sadd.s32 $0x8F2B, s0  }
0xbe: {  	[sflag:s0] =	ssyncadd.remote.s32 $0x1  }
0xbf: {  	_ =	sfence.sel $0xFFFF  }
0xc0: {  	[dreg:$0x0] =	wrdreg $0xFFFFFFFF;
	(pc) =	sbr.abs _section_cstart, $3  }
0xc1: {  	[dreg:$0x1] =	wrdreg $0xFFFFFFFF  }
0xc2: {  	_ =	task.clear_ibuf [dreg:s7], $0x2FFFF;
	_ =	strace $0x9FFFFFFF  }
0xc3: {  	(tm) =	ssettm $0x7FFFFFFF  }
tec
execute0_lowered:
.L_overlay_start_1:
0x0: {  	(tag) =	ssettag $0x1  }
0x1: {  	s5 =	rddreg [dreg:$0x0]  }
0x2: {  	s2 =	rddreg [dreg:$0x1]  }
0x3: {  	s3 =	rddreg [dreg:$0x2]  }
0x4: {  	s0 =	rddreg [dreg:$0x3]  }
0x5: {  	s4 =	simm.s32 $0x0;
	s1 =	stileid.u32;
	s6 =	srdreg.scid  }
0x6: {  	s13 =	simm.s32 $0x50;
	s14 =	simm.s32 $0x10;
	s15 =	simm.s32 $0x2  }
0x7: {  	s16 =	simm.s32 $0x0;
	[smem:$0x7FF] =	sst s4;
	s7 =	smul.u32 $0x2710, s1  }
0x8: {  	s6 =	sand.u32 $0x1, s6;
	s8 =	smul.u32 $0x13880, s1;
	s31 =	sshll.u32 s1, $0x6  }
0x9: {  	_ =	strace $0x80000047;
	s9 =	sshll.u32 s6, $0x4;
	s11 =	sshll.u32 s6, $0x6  }
0xa: {  	s6 =	ssub.s32 $0x2, s6;
	s10 =	sshrl.u32 s7, $0x3;
	s9 =	sor.u32 s1, s9  }
0xb: {  	s8 =	sor.u32 s11, s8;
	s29 =	sshrl.u32 s6, $0x1;
	s9 =	smul.u32 $0x2710, s9  }
0xc: {  	s12 =	sadd.s32 s7, s3;
	s10 =	sadd.s32 s10, s5;
	s8 =	sshrl.u32 s8, $0x3  }
0xd: {  	s11 =	ssub.s32 s6, s29;
	s8 =	sadd.s32 s8, s5;
	s30 =	sshrl.u32 s9, $0x3  }
0xe: {  	s6 =	sor.u32 $0x1C01, s31;
	s8 =	sadd.s32 $0x1C800, s8;
	s9 =	sadd.s32 s5, s30  }
0xf: {  	s5 =	sadd.s32 $0x17800, s10;
	s10 =	sshrl.u32 s12, $0x3;
	s12 =	simm.s32 $0x2710  }
0x10: {  	s7 =	sadd.s32 $0xDA40, s9;
	s9 =	smax.u32 s11, $0x1;
	s11 =	simm.s32 $0x1  }
.LBB2_1:
0x11: {  	[spmem:s10], [sflag:s6] =	dma.local [hbm:s5], $0x4E2  }
0x12: {  	_ =	swait.ge [sflag:s11], $0x4E2  }
0x13: {  	[sflag:s11] =	ssyncset.done $0x0  }
0x14: {  	[sflag:s11] =	ssyncadd.s32 $0xFFFFFB1E  }
0x15: {  	[tilespmem:s4], [sflag:$0x1] =	stream.linear.gather [hbm4b:s7+s4], $0x2710, $0x38;
	[tilespmem:$0x5320] =	vst v63  }
0x16: {  	_ =	swait.ge [sflag:s11], $0x2710  }
0x17: {  	[sflag:s11] =	ssyncset.done $0x0  }
0x18: {  	[sflag:s11] =	ssyncadd.s32 $0xFFFFD8F0  }
0x19: {  	[tilespmem:s12], [sflag:$0x1] =	stream.linear.gather [hbm4b:s2+s4], $0x500, $0x38;
	[tilespmem:$0x5320] =	vst v63  }
0x1a: {  	_ =	swait.ge [sflag:s11], $0x500  }
0x1b: {  	[sflag:s11] =	ssyncset.done $0x0  }
0x1c: {  	[sflag:s11] =	ssyncadd.s32 $0xFFFFFB00  }
0x1d: {  	s17 =	simm.s32 $0x0;
	[bflag:$0x0] =	sbarrier.arrive $0xFFFF  }
0x1e: {  	[spmem:s3] =	stream.indirect.scatter.add.f32 [tilespmem:s12], [sflag:$0x1], $0x10, s17, s13, $0xb8;
	[tilespmem:$0x5320] =	vst v63  }
0x1f: {  	_ =	swait.ge [sflag:s11], $0x500  }
0x20: {  	s17 =	simm.s32 $0x140;
	[sflag:s11] =	ssyncset.done $0x0  }
.LBB2_2:
0x21: {  	s18 =	sshra.s32 s17, $0x2;
	[sflag:s11] =	ssyncadd.s32 $0xFFFFFB00;
	p0 =	sne.s32 s17, $0x9B00  }
0x22: {  	[spmem:s3] =	stream.indirect.scatter.add.f32 [tilespmem:s12], [sflag:$0x1], $0x10, s18, s13, $0xb8;
	[tilespmem:$0x5320] =	vst v63  }
.Ltmp0:
0x23: {  	_ = 	snop;
	(pc) =	sbr.rel @p0 .LBB2_2-.Ltmp0, $4  }
0x24: {  	_ = 	snop  }
0x25: {  	s17 =	sadd.s32 $0x140, s17  }
0x26: {  	_ =	swait.ge [sflag:s11], $0x500  }
0x27: {  	[sflag:s11] =	ssyncset.done $0x0  }
0x28: {  	s16 =	sadd.s32 $0x1, s16  }
0x29: {  	[sflag:s11] =	ssyncadd.s32 $0xFFFFFB00;
	p0 =	sne.s32 s16, s9  }
.Ltmp1:
0x2a: {  	[bflag:$0x0] =	sbarrier.arrive $0xFFFF;
	(pc) =	sbr.rel @p0 .LBB2_1-.Ltmp1, $4  }
0x2b: {  	[hbm:s8@s14], [sflag:s6] =	dma.strided [spmem:s10@s15], $0x4E2, s11, $0x2   }
0x2c: {  	_ =	swait.ge [sflag:s11], $0x4E2  }
0x2d: {  	[sflag:s11] =	ssyncset.done $0x0  }
0x2e: {  	[sflag:s11] =	ssyncadd.s32 $0xFFFFFB1E  }
0x2f: {  	_ =	sfence.sel $0x180000  }
0x30: {  	[bflag:$0x0] =	sbarrier.arrive $0xFFFF  }
0x31: {  	p0 =	sne.s32 s1, $0x0;
	_ =	strace $0x90000047  }
0x32: {  	s0 =	sadd.s32 @!p0 $0x100000, s0;
	[bflag:$0x2] =	sbarrier.arrive $0xFFFF  }
0x33: {  	[sflag:s0] =	ssyncadd.tile.s32 @!p0 $0x1;
	_ =	shalt  }
.Lfunc_end2:
_tile_overlayer_lowered:
.L_overlay_start_2:
0x34: {  	(tag) =	ssettag $0x2  }
0x35: {  	s0 =	rddreg [dreg:$0x0];
	s2 =	stileid.u32  }
0x36: {  	s1 =	rddreg [dreg:$0x1];
	p0 =	sne.s32 s2, $0x0  }
0x37: {  	s3 =	rddreg [dreg:$0x2];
	[bflag:$0x3] =	sbarrier.arrive $0xFFFF;
	s2 =	simm.s32 @!p0 $0x1C01  }
0x38: {  	[timem:s3], [sflag:s2] =	dma.local @!p0 [hbm:s0], s1  }
0x39: {  	s0 =	simm.s32 @!p0 $0x1  }
0x3a: {  	_ =	swait.ge @!p0 [sflag:s0], s1  }
0x3b: {  	s1 =	ssub.s32 @!p0 $0x0, s1;
	[sflag:s0] =	ssyncset.done @!p0 $0x0  }
0x3c: {  	[sflag:s0] =	ssyncadd.s32 @!p0 s1  }
0x3d: {  	[bflag:$0x3] =	sbarrier.arrive $0xFFFF  }
0x3e: {  	_ =	shalt  }

// kernel: kernel.14.cloned.1.call-start
scs
__scs_entry_jumppad:
0x0: {  	(pc) =	sbr.rel $0x88, $3  }
0x1: {  	(tag) =	ssettag $0x0;
	lr =	simm.s32 $0x1  }
0x2: {  	[smem:$0x3F99] =	sst lr;
	_ =	strace $0xD0000000  }
0x3: {  	_ = 	snop  }
0x4: {  	_ = 	snop  }
0x5: {  	_ = 	snop  }
0x6: {  	_ = 	snop  }
0x7: {  	_ = 	snop  }
__scs_overlays_trampoline_lowered:
0x8: {  	[smem:$0x3FA8] =	sst s0  }
0x9: {  	[smem:$0x3FA9] =	sst s1  }
0xa: {  	[smem:$0x3FAA] =	sst s2  }
0xb: {  	[smem:$0x3FAB] =	sst s3  }
0xc: {  	[smem:$0x3FAC] =	sst s4  }
0xd: {  	[smem:$0x3FAD] =	sst s5  }
0xe: {  	[smem:$0x3FAE] =	sst s6  }
0xf: {  	[smem:$0x3FAF] =	sst s7  }
0x10: {  	[smem:$0x3FB0] =	sst s8  }
0x11: {  	[smem:$0x3FB1] =	sst s9;
	s0 =	simm.s32 @!p0 $0x0  }
0x12: {  	s1 =	sld [smem:$0x3F97];
	s0 =	simm.s32 @p0 $0x1  }
0x13: {  	[smem:$0x3FB2] =	sst s0;
	s0 =	simm.s32 @!p1 $0x0  }
0x14: {  	s2 =	sld [smem:$0x3F96];
	s0 =	simm.s32 @p1 $0x1  }
0x15: {  	[smem:$0x3FB3] =	sst s0;
	s0 =	simm.s32 @!p2 $0x0  }
0x16: {  	s3 =	sld [smem:$0x3FDB];
	s0 =	simm.s32 @p2 $0x1  }
0x17: {  	s4 =	simm.s32 $0x1BF5;
	[smem:$0x3FB5] =	sst s0  }
0x18: {  	s0 =	sld [smem:$0x3F98];
	_ =	swait.ge [sflag:s4], $0x0  }
0x19: {  	s7 =	sld [smem:$0x3F99]  }
0x1a: {  	s8 =	sadd.s32 $0xFFFFE003, lr  }
0x1b: {  	s9 =	sadd.s32 $0xFFFFFEF7, lr;
	s5 =	simm.s32 $0xFFFFFFFF;
	p2 =	slt.u32 s8, $0xFFFFF086  }
0x1c: {  	p1 =	slt.u32 s9, $0xF7A;
	s5 =	simm.s32 @!p2 $0x0  }
0x1d: {  	s5 =	simm.s32 @p1 $0x1;
	p0 =	seq.s32 s7, s2  }
0x1e: {  	s7 =	smul.u32 @!p0 $0xF7A, s2;
	p2 =	seq.s32 @!p0 s5, $0x0  }
0x1f: {  	s9 =	smul.u32 $0xF7A, s1;
	s8 =	simm.s32 @!p0 $0x1BF5;
	p2 =	por !p2, p0  }
0x20: {  	[sflag:s8] =	ssyncset.s32 @!p0 $0xFFFFF086;
	s6 =	sadd.s32 @!p0 s3, s7;
	s7 =	simm.s32 @!p0 $0x108  }
0x21: {  	s3 =	sadd.s32 s3, s9;
	s6 =	sadd.s32 @!p0 $0x88, s6;
	s7 =	simm.s32 @p2 $0x1082  }
0x22: {  	[simem:s7], [sflag:s8] =	dma.local @!p0 [hbm:s6], $0xF7A  }
0x23: {  	s9 =	sor.u32 $0xD0000000, s2;
	s6 =	simm.s32 $0x108;
	_ =	swait.ge @!p0 [sflag:s8], $0x0  }
0x24: {  	s3 =	sadd.s32 $0x88, s3;
	s6 =	simm.s32 @!p1 $0x1082;
	[sflag:s4] =	ssyncset.s32 $0xFFFFF086  }
0x25: {  	[simem:s6], [sflag:s4] =	dma.local [hbm:s3], $0xF7A  }
0x26: {  	[smem:$0x3F99] =	sst s1;
	(tag) =	ssettag s2;
	_ =	strace s9  }
0x27: {  	s1 =	sld [smem:$0x3FA9]  }
0x28: {  	s2 =	sld [smem:$0x3FAA]  }
0x29: {  	s4 =	sld [smem:$0x3FAC]  }
0x2a: {  	p0 =	seq.s32 s5, $0x0;
	s5 =	sld [smem:$0x3FAD]  }
0x2b: {  	s6 =	sld [smem:$0x3FAE]  }
0x2c: {  	s7 =	sld [smem:$0x3FAF]  }
0x2d: {  	s3 =	simm.s32 $0x108;
	s8 =	sld [smem:$0x3FB0]  }
0x2e: {  	s3 =	simm.s32 @!p0 $0x1082;
	s9 =	sld [smem:$0x3FB1]  }
0x2f: {  	lr =	sadd.s32 s0, s3;
	s0 =	sld [smem:$0x3FA8]  }
0x30: {  	s3 =	sld [smem:$0x3FAB]  }
0x31: {  	[smem:$0x3FB4] =	sst s10  }
0x32: {  	s10 =	sld [smem:$0x3FB2];
	_ =	sdelay $0x3  }
0x33: {  	p0 =	seq.s32 s10, $0x1;
	s10 =	sld [smem:$0x3FB4];
	_ =	sdelay $0x3  }
0x34: {  	[smem:$0x3FB4] =	sst s10  }
0x35: {  	s10 =	sld [smem:$0x3FB3];
	_ =	sdelay $0x3  }
0x36: {  	p1 =	seq.s32 s10, $0x1;
	s10 =	sld [smem:$0x3FB4];
	_ =	sdelay $0x3  }
0x37: {  	[smem:$0x3FB4] =	sst s10  }
0x38: {  	s10 =	sld [smem:$0x3FB5]  }
0x39: {  	_ = 	snop;
	(pc) =	sbr.ind lr, $3  }
0x3a: {  	_ = 	snop  }
0x3b: {  	_ = 	snop  }
0x3c: {  	p2 =	seq.s32 s10, $0x1;
	s10 =	sld [smem:$0x3FB4]  }
0x3d: {  	_ =	shalt  }
0x3e: {  	_ =	shalt  }
0x3f: {  	_ =	shalt  }
0x40: {  	_ =	shalt  }
0x41: {  	_ =	shalt  }
0x42: {  	_ =	shalt  }
0x43: {  	_ =	shalt  }
0x44: {  	_ =	shalt  }
0x45: {  	_ =	shalt  }
0x46: {  	_ =	shalt  }
0x47: {  	_ =	shalt  }
0x48: {  	_ =	shalt  }
0x49: {  	_ =	shalt  }
0x4a: {  	_ =	shalt  }
0x4b: {  	_ =	shalt  }
0x4c: {  	_ =	shalt  }
0x4d: {  	_ =	shalt  }
0x4e: {  	_ =	shalt  }
0x4f: {  	_ =	shalt  }
0x50: {  	_ =	shalt  }
0x51: {  	_ =	shalt  }
0x52: {  	_ =	shalt  }
0x53: {  	_ =	shalt  }
0x54: {  	_ =	shalt  }
0x55: {  	_ =	shalt  }
0x56: {  	_ =	shalt  }
0x57: {  	_ =	shalt  }
0x58: {  	_ =	shalt  }
0x59: {  	_ =	shalt  }
0x5a: {  	_ =	shalt  }
0x5b: {  	_ =	shalt  }
0x5c: {  	_ =	shalt  }
0x5d: {  	_ =	shalt  }
0x5e: {  	_ =	shalt  }
0x5f: {  	_ =	shalt  }
0x60: {  	_ =	shalt  }
0x61: {  	_ =	shalt  }
0x62: {  	_ =	shalt  }
0x63: {  	_ =	shalt  }
0x64: {  	_ =	shalt  }
0x65: {  	_ =	shalt  }
0x66: {  	_ =	shalt  }
0x67: {  	_ =	shalt  }
0x68: {  	_ =	shalt  }
0x69: {  	_ =	shalt  }
0x6a: {  	_ =	shalt  }
0x6b: {  	_ =	shalt  }
0x6c: {  	_ =	shalt  }
0x6d: {  	_ =	shalt  }
0x6e: {  	_ =	shalt  }
0x6f: {  	_ =	shalt  }
0x70: {  	_ =	shalt  }
0x71: {  	_ =	shalt  }
0x72: {  	_ =	shalt  }
0x73: {  	_ =	shalt  }
0x74: {  	_ =	shalt  }
0x75: {  	_ =	shalt  }
0x76: {  	_ =	shalt  }
0x77: {  	_ =	shalt  }
0x78: {  	_ =	shalt  }
0x79: {  	_ =	shalt  }
0x7a: {  	_ =	shalt  }
0x7b: {  	_ =	shalt  }
0x7c: {  	_ =	shalt  }
0x7d: {  	_ =	shalt  }
0x7e: {  	_ =	shalt  }
0x7f: {  	_ =	shalt  }
0x80: {  	_ =	shalt  }
0x81: {  	_ =	shalt  }
0x82: {  	_ =	shalt  }
0x83: {  	_ =	shalt  }
0x84: {  	_ =	shalt  }
0x85: {  	_ =	shalt  }
0x86: {  	_ =	shalt  }
0x87: {  	_ =	shalt  }
.Lfunc_end0:
.L_simem_size_0:
called_computation.1_lowered:
.L_overlay_start_0:
0x88: {  	s2 =	sld [smem:$0x3FD9]  }
0x89: {  	s3 =	sld [smem:$0x3FFE];
	_ =	sdelay $0x1  }
0x8a: {  	s1 =	srdreg.scid  }
0x8b: {  	s0 =	sand.u32 $0x1, s1  }
0x8c: {  	s16 =	sshll.u32 s0, $0xA;
	s2 =	sadd.s32 s3, s2  }
0x8d: {  	s2 =	sadd.s32 s2, s16  }
0x8e: {  	[smem:$0x3FC0] =	sst s2  }
0x8f: {  	_ = 	snop  }
0x90: {  	(tm) =	ssettm $0x1  }
0x91: {  	s17 =	sld [smem:$0x3FFB];
	_ =	sdelay $0x3  }
0x92: {  	_ =	strace s17  }
0x93: {  	s2 =	sld [smem:$0x3FFC];
	_ =	sdelay $0x3  }
0x94: {  	_ =	strace s2  }
0x95: {  	s2 =	sld [smem:$0x3FFD];
	_ =	sdelay $0x3  }
0x96: {  	_ =	strace s2  }
0x97: {  	_ =	strace $0x8FFFFFFF  }
0x98: {  	s18 =	sld [smem:$0x3FDB];
	_ =	sdelay $0x1  }
0x99: {  	s19 =	simm.s32 $_scs_section_size  }
0x9a: {  	s4 =	simm.s32 $_size__tile_overlayer_lowered;
	s5 =	simm.s32 $_tile_overlayer_lowered  }
0x9b: {  	s22 =	simm.s32 $0x1BFF;
	s21 =	sshll.u32 s5, $0x1;
	s2 =	sadd.s32 s19, s18  }
0x9c: {  	s6 =	simm.s32 $0x0;
	s20 =	sshll.u32 s4, $0x1;
	s4 =	sadd.s32 s21, s2  }
0x9d: {  	[timem:s6], [sflag:s22] =	dma.local [hbm:s4], s20  }
0x9e: {  	_ =	swait.ge [sflag:s22], s20  }
0x9f: {  	s3 =	ssub.s32 $0x0, s20;
	[sflag:s22] =	ssyncset.done $0x0  }
0xa0: {  	[sflag:s22] =	ssyncadd.s32 s3;
	_ =	sdelay $0x1  }
0xa1: {  	s23 =	simm.s32 $0x1B8B  }
0xa2: {  	_ =	swait.ge [sflag:s23], $0x1  }
0xa3: {  	[sflag:s23] =	ssyncset.done $0x0  }
0xa4: {  	s25 =	simm.s32 $0x1B8E;
	s24 =	sld [smem:$0x3FFE];
	[sflag:s23] =	ssyncadd.s32 $0xFFFFFFFF  }
0xa5: {  	s26 =	simm.s32 $execute0_lowered;
	[smem:$0x3FD2] =	sst s25  }
0xa6: {  	s4 =	sshll.u32 s26, $0x1;
	_ =	strace $0x80000049;
	[dreg:$0x1] =	wrdreg $0xFFFFFFFF  }
0xa7: {  	s28 =	simm.s32 $_size_execute0_lowered;
	s2 =	sadd.s32 s2, s4;
	[dreg:$0x0] =	wrdreg $0x0  }
0xa8: {  	s4 =	sshll.u32 s28, $0x1;
	[dreg:$0x2] =	wrdreg s2  }
0xa9: {  	[dreg:$0x3] =	wrdreg s4  }
0xaa: {  	[dreg:$0x4] =	wrdreg $0xC0  }
0xab: {  	_ =	task [dreg:s6], $0x5FFFF  }
0xac: {  	[dreg:$0x1] =	wrdreg $0xFFFFFFFF  }
0xad: {  	[dreg:$0x0] =	wrdreg $0x60  }
0xae: {  	[dreg:$0x2] =	wrdreg s24  }
0xaf: {  	[dreg:$0x3] =	wrdreg $0x76200  }
0xb0: {  	[dreg:$0x4] =	wrdreg $0x112600  }
0xb1: {  	[dreg:$0x5] =	wrdreg $0x9  }
0xb2: {  	_ =	task.clear_ibuf [dreg:s6], $0x6FFFF;
	_ =	strace $0x90000049  }
0xb3: {  	s29 =	simm.s32 $0x9;
	_ =	strace $0x8000004B  }
0xb4: {  	_ =	swait.ge [sflag:s29], $0x1  }
0xb5: {  	[sflag:s29] =	ssyncadd.s32 $0xFFFFFFFF  }
0xb6: {  	_ =	strace $0x9000004B  }
0xb7: {  	_ =	sfence  }
0xb8: {  	s30 =	sld [smem:$0x0];
	_ =	sdelay $0x2  }
0xb9: {  	s31 =	sshll.u32 s1, $0xD;
	s1 =	sshrl.u32 s1, $0x2  }
0xba: {  	s3 =	sand.u32 $0x4000, s31;
	s1 =	sadd.s32 s1, s30  }
0xbb: {  	s0 =	sor.u32 s3, s0;
	s1 =	sshll.u32 s1, $0x11  }
0xbc: {  	s0 =	sor.u32 s1, s0  }
0xbd: {  	s0 =	sadd.s32 $0x8F2B, s0  }
0xbe: {  	[sflag:s0] =	ssyncadd.remote.s32 $0x1  }
0xbf: {  	_ =	sfence.sel $0xFFFF  }
0xc0: {  	[dreg:$0x0] =	wrdreg $0xFFFFFFFF;
	(pc) =	sbr.abs _section_cstart, $3  }
0xc1: {  	[dreg:$0x1] =	wrdreg $0xFFFFFFFF  }
0xc2: {  	_ =	task.clear_ibuf [dreg:s6], $0x2FFFF;
	_ =	strace $0x9FFFFFFF  }
0xc3: {  	(tm) =	ssettm $0x7FFFFFFF  }
tec
execute0_lowered:
.L_overlay_start_1:
0x0: {  	(tag) =	ssettag $0x1  }
0x1: {  	s5 =	rddreg [dreg:$0x0]  }
0x2: {  	s1 =	rddreg [dreg:$0x1];
	s0 =	srdreg.scid  }
0x3: {  	s3 =	rddreg [dreg:$0x2];
	s2 =	stileid.u32;
	s4 =	simm.s32 $0x0  }
0x4: {  	s16 =	simm.s32 $0x8;
	s17 =	simm.s32 $0x10;
	s18 =	simm.s32 $0x2710  }
0x5: {  	s19 =	simm.s32 $0x50;
	s20 =	simm.s32 $0x4E20;
	s21 =	simm.s32 $0x6220  }
0x6: {  	s22 =	simm.s32 $0x2;
	s23 =	simm.s32 $0x4DD0;
	s24 =	simm.s32 $0x0  }
0x7: {  	s6 =	sand.u32 $0x1, s0;
	s0 =	rddreg [dreg:$0x3];
	s8 =	smul.u32 $0x13880, s2  }
0x8: {  	[smem:$0x7FF] =	sst s4;
	s10 =	smul.u32 $0x9C40, s2;
	s31 =	sshll.u32 s2, $0x6  }
0x9: {  	s7 =	sshll.u32 s6, $0x4;
	_ =	strace $0x8000004A;
	s11 =	sshll.u32 s6, $0x6  }
0xa: {  	s6 =	ssub.s32 $0x2, s6;
	s7 =	sor.u32 s2, s7;
	s9 =	sshrl.u32 s8, $0x3  }
0xb: {  	s26 =	sor.u32 s11, s8;
	s28 =	sshrl.u32 s10, $0x3;
	s30 =	sshrl.u32 s6, $0x1  }
0xc: {  	s14 =	sadd.s32 s10, s1;
	s15 =	sadd.s32 s10, s3;
	s7 =	smul.u32 $0x2710, s7  }
0xd: {  	s9 =	sadd.s32 s9, s5;
	s8 =	sadd.s32 s28, s5;
	s13 =	ssub.s32 s6, s30  }
0xe: {  	s6 =	sor.u32 $0x1C03, s31;
	s11 =	smax.u32 s13, $0x1;
	s7 =	sshrl.u32 s7, $0x3  }
0xf: {  	s13 =	simm.s32 $0x3;
	s12 =	sadd.s32 s7, s5;
	s7 =	sshrl.u32 s26, $0x3  }
0x10: {  	s29 =	sadd.s32 s7, s5;
	s5 =	sadd.s32 $0x43A00, s8;
	s7 =	sadd.s32 $0x1C800, s9  }
0x11: {  	s8 =	sadd.s32 $0x3E00, s12;
	s9 =	sadd.s32 $0xDA40, s12;
	s12 =	sshrl.u32 s14, $0x3  }
0x12: {  	s14 =	sshrl.u32 s15, $0x3;
	s15 =	simm.s32 $0x1;
	s10 =	sadd.s32 $0x57400, s29  }
.LBB2_1:
0x13: {  	[spmem:s12], [sflag:s6] =	dma.local [hbm:s5], $0x1388  }
0x14: {  	_ =	swait.ge [sflag:s13], $0x1388  }
0x15: {  	[sflag:s13] =	ssyncset.done $0x0  }
0x16: {  	[sflag:s13] =	ssyncadd.s32 $0xFFFFEC78  }
0x17: {  	[spmem:s14@s16], [sflag:s6] =	dma.strided [hbm:s7@s17], $0x1388, s15, $0x8   }
0x18: {  	_ =	swait.ge [sflag:s13], $0x1388  }
0x19: {  	[sflag:s13] =	ssyncset.done $0x0  }
0x1a: {  	[sflag:s13] =	ssyncadd.s32 $0xFFFFEC78  }
0x1b: {  	[tilespmem:s4], [sflag:$0x3] =	stream.linear.gather [hbm4b:s8+s4], $0x2710, $0x38;
	[tilespmem:$0x1AEA0] =	vst v63  }
0x1c: {  	_ =	swait.ge [sflag:s13], $0x2710  }
0x1d: {  	[sflag:s13] =	ssyncset.done $0x0  }
0x1e: {  	[sflag:s13] =	ssyncadd.s32 $0xFFFFD8F0  }
0x1f: {  	[tilespmem:s18], [sflag:$0x3] =	stream.linear.gather [hbm4b:s9+s4], $0x2710, $0x38;
	[tilespmem:$0x1AEA0] =	vst v63  }
0x20: {  	_ =	swait.ge [sflag:s13], $0x2710  }
0x21: {  	[sflag:s13] =	ssyncset.done $0x0  }
0x22: {  	[sflag:s13] =	ssyncadd.s32 $0xFFFFD8F0  }
0x23: {  	[bflag:$0x0] =	sbarrier.arrive $0xFFFF  }
0x24: {  	[tilespmem:s20], [sflag:$0x1] =	stream.indirect.gather [spmem:s3], $0x40, s4, s19, $0xb8;
	[tilespmem:$0x1AEA0] =	vst v63  }
0x25: {  	s25 =	simm.s32 $0x50  }
0x26: {  	[tilespmem:s21], [sflag:$0x2] =	stream.indirect.gather [spmem:s3], $0x40, s25, s19, $0xb8;
	[tilespmem:$0x1AEA0] =	vst v63  }
0x27: {  	_ =	swait.ge [sflag:s15], $0x1400  }
0x28: {  	[sflag:s15] =	ssyncset.done $0x0  }
0x29: {  	s29 =	simm.s32 $0x2710;
	[sflag:s15] =	ssyncadd.s32 $0xFFFFEC00  }
0x2a: {  	[spmem:s1] =	stream.indirect.scatter.add.f32 [tilespmem:s20], [sflag:$0x3], $0x40, s29, s19, $0xb8;
	[tilespmem:$0x1AEA0] =	vst v63  }
0x2b: {  	_ =	swait.ge [sflag:s13], $0x1400  }
0x2c: {  	[sflag:s13] =	ssyncset.done $0x0  }
0x2d: {  	s30 =	simm.s32 $0xA0;
	[sflag:s13] =	ssyncadd.s32 $0xFFFFEC00  }
0x2e: {  	[tilespmem:s20], [sflag:$0x1] =	stream.indirect.gather [spmem:s3], $0x40, s30, s19, $0xb8;
	[tilespmem:$0x1AEA0] =	vst v63  }
0x2f: {  	_ =	swait.ge [sflag:s22], $0x1400  }
0x30: {  	[sflag:s22] =	ssyncset.done $0x0  }
0x31: {  	s31 =	simm.s32 $0x2760;
	[sflag:s22] =	ssyncadd.s32 $0xFFFFEC00  }
0x32: {  	[spmem:s1] =	stream.indirect.scatter.add.f32 [tilespmem:s21], [sflag:$0x3], $0x40, s31, s19, $0xb8;
	[tilespmem:$0x1AEA0] =	vst v63  }
0x33: {  	_ =	swait.ge [sflag:s13], $0x1400  }
0x34: {  	s26 =	simm.s32 $0x500;
	s25 =	simm.s32 $0xA0;
	[sflag:s13] =	ssyncset.done $0x0  }
.LBB2_2:
0x35: {  	s28 =	sadd.s32 $0x50, s25  }
0x36: {  	[sflag:s13] =	ssyncadd.s32 $0xFFFFEC00;
	s29 =	smov.u32 s26;
	s30 =	sadd.s32 $0x280, s26  }
0x37: {  	[tilespmem:s21], [sflag:$0x2] =	stream.indirect.gather [spmem:s3], $0x40, s28, s19, $0xb8;
	[tilespmem:$0x1AEA0] =	vst v63  }
0x38: {  	p0 =	sne.s32 s26, $0x9880;
	_ =	swait.ge [sflag:s15], $0x1400  }
0x39: {  	[sflag:s15] =	ssyncset.done $0x0  }
0x3a: {  	s26 =	sadd.s32 $0x2710, s25;
	[sflag:s15] =	ssyncadd.s32 $0xFFFFEC00  }
0x3b: {  	[spmem:s1] =	stream.indirect.scatter.add.f32 [tilespmem:s20], [sflag:$0x3], $0x40, s26, s19, $0xb8;
	[tilespmem:$0x1AEA0] =	vst v63  }
0x3c: {  	_ =	swait.ge [sflag:s13], $0x1400  }
0x3d: {  	[sflag:s13] =	ssyncset.done $0x0  }
0x3e: {  	s26 =	sadd.s32 $0xA0, s25;
	[sflag:s13] =	ssyncadd.s32 $0xFFFFEC00  }
0x3f: {  	[tilespmem:s20], [sflag:$0x1] =	stream.indirect.gather [spmem:s3], $0x40, s26, s19, $0xb8;
	[tilespmem:$0x1AEA0] =	vst v63  }
0x40: {  	_ =	swait.ge [sflag:s22], $0x1400  }
.Ltmp0:
0x41: {  	[sflag:s22] =	ssyncset.done $0x0;
	(pc) =	sbr.rel @p0 .LBB2_2-.Ltmp0, $4  }
0x42: {  	s25 =	sadd.s32 $0x2760, s25;
	[sflag:s22] =	ssyncadd.s32 $0xFFFFEC00  }
0x43: {  	[spmem:s1] =	stream.indirect.scatter.add.f32 [tilespmem:s21], [sflag:$0x3], $0x40, s25, s19, $0xb8;
	[tilespmem:$0x1AEA0] =	vst v63  }
0x44: {  	_ =	swait.ge [sflag:s13], $0x1400  }
0x45: {  	s26 =	smov.u32 s30;
	s25 =	sshra.s32 s29, $0x2;
	[sflag:s13] =	ssyncset.done $0x0  }
0x46: {  	s26 =	sadd.s32 $0x50, s25;
	[sflag:s13] =	ssyncadd.s32 $0xFFFFEC00  }
0x47: {  	[tilespmem:s21], [sflag:$0x2] =	stream.indirect.gather [spmem:s3], $0x40, s26, s19, $0xb8;
	[tilespmem:$0x1AEA0] =	vst v63  }
0x48: {  	_ =	swait.ge [sflag:s15], $0x1400  }
0x49: {  	[sflag:s15] =	ssyncset.done $0x0  }
0x4a: {  	s29 =	sadd.s32 $0x2710, s25;
	[sflag:s15] =	ssyncadd.s32 $0xFFFFEC00  }
0x4b: {  	[spmem:s1] =	stream.indirect.scatter.add.f32 [tilespmem:s20], [sflag:$0x3], $0x40, s29, s19, $0xb8;
	[tilespmem:$0x1AEA0] =	vst v63  }
0x4c: {  	_ =	swait.ge [sflag:s13], $0x1400  }
0x4d: {  	[sflag:s13] =	ssyncset.done $0x0  }
0x4e: {  	s30 =	sadd.s32 $0xA0, s25;
	[sflag:s13] =	ssyncadd.s32 $0xFFFFEC00  }
0x4f: {  	[tilespmem:s20], [sflag:$0x1] =	stream.indirect.gather [spmem:s3], $0x40, s30, s19, $0xb8;
	[tilespmem:$0x1AEA0] =	vst v63  }
0x50: {  	_ =	swait.ge [sflag:s22], $0x1400  }
0x51: {  	[sflag:s22] =	ssyncset.done $0x0  }
0x52: {  	s31 =	sadd.s32 $0x2760, s25;
	[sflag:s22] =	ssyncadd.s32 $0xFFFFEC00  }
0x53: {  	[spmem:s1] =	stream.indirect.scatter.add.f32 [tilespmem:s21], [sflag:$0x3], $0x40, s31, s19, $0xb8;
	[tilespmem:$0x1AEA0] =	vst v63  }
0x54: {  	_ =	swait.ge [sflag:s13], $0x1400  }
0x55: {  	[sflag:s13] =	ssyncset.done $0x0  }
0x56: {  	[sflag:s13] =	ssyncadd.s32 $0xFFFFEC00  }
0x57: {  	_ =	swait.ge [sflag:s15], $0x1400  }
0x58: {  	[sflag:s15] =	ssyncset.done $0x0  }
0x59: {  	[sflag:s15] =	ssyncadd.s32 $0xFFFFEC00  }
0x5a: {  	[spmem:s1] =	stream.indirect.scatter.add.f32 [tilespmem:s20], [sflag:$0x3], $0x40, s23, s19, $0xb8;
	[tilespmem:$0x1AEA0] =	vst v63  }
0x5b: {  	_ =	swait.ge [sflag:s13], $0x1400  }
0x5c: {  	s24 =	sadd.s32 $0x1, s24;
	[sflag:s13] =	ssyncset.done $0x0  }
0x5d: {  	p0 =	sne.s32 s24, s11;
	[sflag:s13] =	ssyncadd.s32 $0xFFFFEC00  }
.Ltmp1:
0x5e: {  	[bflag:$0x0] =	sbarrier.arrive $0xFFFF;
	(pc) =	sbr.rel @p0 .LBB2_1-.Ltmp1, $4  }
0x5f: {  	[hbm:s10@s17], [sflag:s6] =	dma.strided [spmem:s12@s16], $0x1388, s15, $0x8   }
0x60: {  	_ =	swait.ge [sflag:s13], $0x1388  }
0x61: {  	[sflag:s13] =	ssyncset.done $0x0  }
0x62: {  	[sflag:s13] =	ssyncadd.s32 $0xFFFFEC78  }
0x63: {  	_ =	sfence.sel $0x180000  }
0x64: {  	[bflag:$0x0] =	sbarrier.arrive $0xFFFF  }
0x65: {  	p0 =	sne.s32 s2, $0x0;
	_ =	strace $0x9000004A  }
0x66: {  	s0 =	sadd.s32 @!p0 $0x100000, s0;
	[bflag:$0x2] =	sbarrier.arrive $0xFFFF  }
0x67: {  	[sflag:s0] =	ssyncadd.tile.s32 @!p0 $0x1;
	_ =	shalt  }
.Lfunc_end2:
_tile_overlayer_lowered:
.L_overlay_start_2:
0x68: {  	(tag) =	ssettag $0x2  }
0x69: {  	s0 =	rddreg [dreg:$0x0];
	s2 =	stileid.u32  }
0x6a: {  	s1 =	rddreg [dreg:$0x1];
	p0 =	sne.s32 s2, $0x0  }
0x6b: {  	s3 =	rddreg [dreg:$0x2];
	[bflag:$0x3] =	sbarrier.arrive $0xFFFF;
	s2 =	simm.s32 @!p0 $0x1C03  }
0x6c: {  	[timem:s3], [sflag:s2] =	dma.local @!p0 [hbm:s0], s1  }
0x6d: {  	s0 =	simm.s32 @!p0 $0x3  }
0x6e: {  	_ =	swait.ge @!p0 [sflag:s0], s1  }
0x6f: {  	s1 =	ssub.s32 @!p0 $0x0, s1;
	[sflag:s0] =	ssyncset.done @!p0 $0x0  }
0x70: {  	[sflag:s0] =	ssyncadd.s32 @!p0 s1  }
0x71: {  	[bflag:$0x3] =	sbarrier.arrive $0xFFFF  }
0x72: {  	_ =	shalt  }

// kernel: kernel.17.cloned.1.call-start
scs
__scs_entry_jumppad:
0x0: {  	(pc) =	sbr.rel $0x88, $3  }
0x1: {  	(tag) =	ssettag $0x0;
	lr =	simm.s32 $0x1  }
0x2: {  	[smem:$0x3F99] =	sst lr;
	_ =	strace $0xD0000000  }
0x3: {  	_ = 	snop  }
0x4: {  	_ = 	snop  }
0x5: {  	_ = 	snop  }
0x6: {  	_ = 	snop  }
0x7: {  	_ = 	snop  }
__scs_overlays_trampoline_lowered:
0x8: {  	[smem:$0x3FA8] =	sst s0  }
0x9: {  	[smem:$0x3FA9] =	sst s1  }
0xa: {  	[smem:$0x3FAA] =	sst s2  }
0xb: {  	[smem:$0x3FAB] =	sst s3  }
0xc: {  	[smem:$0x3FAC] =	sst s4  }
0xd: {  	[smem:$0x3FAD] =	sst s5  }
0xe: {  	[smem:$0x3FAE] =	sst s6  }
0xf: {  	[smem:$0x3FAF] =	sst s7  }
0x10: {  	[smem:$0x3FB0] =	sst s8  }
0x11: {  	[smem:$0x3FB1] =	sst s9;
	s0 =	simm.s32 @!p0 $0x0  }
0x12: {  	s1 =	sld [smem:$0x3F97];
	s0 =	simm.s32 @p0 $0x1  }
0x13: {  	[smem:$0x3FB2] =	sst s0;
	s0 =	simm.s32 @!p1 $0x0  }
0x14: {  	s2 =	sld [smem:$0x3F96];
	s0 =	simm.s32 @p1 $0x1  }
0x15: {  	[smem:$0x3FB3] =	sst s0;
	s0 =	simm.s32 @!p2 $0x0  }
0x16: {  	s3 =	sld [smem:$0x3FDB];
	s0 =	simm.s32 @p2 $0x1  }
0x17: {  	s4 =	simm.s32 $0x1BF5;
	[smem:$0x3FB5] =	sst s0  }
0x18: {  	s0 =	sld [smem:$0x3F98];
	_ =	swait.ge [sflag:s4], $0x0  }
0x19: {  	s7 =	sld [smem:$0x3F99]  }
0x1a: {  	s8 =	sadd.s32 $0xFFFFE003, lr  }
0x1b: {  	s9 =	sadd.s32 $0xFFFFFEF7, lr;
	s5 =	simm.s32 $0xFFFFFFFF;
	p2 =	slt.u32 s8, $0xFFFFF086  }
0x1c: {  	p1 =	slt.u32 s9, $0xF7A;
	s5 =	simm.s32 @!p2 $0x0  }
0x1d: {  	s5 =	simm.s32 @p1 $0x1;
	p0 =	seq.s32 s7, s2  }
0x1e: {  	s7 =	smul.u32 @!p0 $0xF7A, s2;
	p2 =	seq.s32 @!p0 s5, $0x0  }
0x1f: {  	s9 =	smul.u32 $0xF7A, s1;
	s8 =	simm.s32 @!p0 $0x1BF5;
	p2 =	por !p2, p0  }
0x20: {  	[sflag:s8] =	ssyncset.s32 @!p0 $0xFFFFF086;
	s6 =	sadd.s32 @!p0 s3, s7;
	s7 =	simm.s32 @!p0 $0x108  }
0x21: {  	s3 =	sadd.s32 s3, s9;
	s6 =	sadd.s32 @!p0 $0x88, s6;
	s7 =	simm.s32 @p2 $0x1082  }
0x22: {  	[simem:s7], [sflag:s8] =	dma.local @!p0 [hbm:s6], $0xF7A  }
0x23: {  	s9 =	sor.u32 $0xD0000000, s2;
	s6 =	simm.s32 $0x108;
	_ =	swait.ge @!p0 [sflag:s8], $0x0  }
0x24: {  	s3 =	sadd.s32 $0x88, s3;
	s6 =	simm.s32 @!p1 $0x1082;
	[sflag:s4] =	ssyncset.s32 $0xFFFFF086  }
0x25: {  	[simem:s6], [sflag:s4] =	dma.local [hbm:s3], $0xF7A  }
0x26: {  	[smem:$0x3F99] =	sst s1;
	(tag) =	ssettag s2;
	_ =	strace s9  }
0x27: {  	s1 =	sld [smem:$0x3FA9]  }
0x28: {  	s2 =	sld [smem:$0x3FAA]  }
0x29: {  	s4 =	sld [smem:$0x3FAC]  }
0x2a: {  	p0 =	seq.s32 s5, $0x0;
	s5 =	sld [smem:$0x3FAD]  }
0x2b: {  	s6 =	sld [smem:$0x3FAE]  }
0x2c: {  	s7 =	sld [smem:$0x3FAF]  }
0x2d: {  	s3 =	simm.s32 $0x108;
	s8 =	sld [smem:$0x3FB0]  }
0x2e: {  	s3 =	simm.s32 @!p0 $0x1082;
	s9 =	sld [smem:$0x3FB1]  }
0x2f: {  	lr =	sadd.s32 s0, s3;
	s0 =	sld [smem:$0x3FA8]  }
0x30: {  	s3 =	sld [smem:$0x3FAB]  }
0x31: {  	[smem:$0x3FB4] =	sst s10  }
0x32: {  	s10 =	sld [smem:$0x3FB2];
	_ =	sdelay $0x3  }
0x33: {  	p0 =	seq.s32 s10, $0x1;
	s10 =	sld [smem:$0x3FB4];
	_ =	sdelay $0x3  }
0x34: {  	[smem:$0x3FB4] =	sst s10  }
0x35: {  	s10 =	sld [smem:$0x3FB3];
	_ =	sdelay $0x3  }
0x36: {  	p1 =	seq.s32 s10, $0x1;
	s10 =	sld [smem:$0x3FB4];
	_ =	sdelay $0x3  }
0x37: {  	[smem:$0x3FB4] =	sst s10  }
0x38: {  	s10 =	sld [smem:$0x3FB5]  }
0x39: {  	_ = 	snop;
	(pc) =	sbr.ind lr, $3  }
0x3a: {  	_ = 	snop  }
0x3b: {  	_ = 	snop  }
0x3c: {  	p2 =	seq.s32 s10, $0x1;
	s10 =	sld [smem:$0x3FB4]  }
0x3d: {  	_ =	shalt  }
0x3e: {  	_ =	shalt  }
0x3f: {  	_ =	shalt  }
0x40: {  	_ =	shalt  }
0x41: {  	_ =	shalt  }
0x42: {  	_ =	shalt  }
0x43: {  	_ =	shalt  }
0x44: {  	_ =	shalt  }
0x45: {  	_ =	shalt  }
0x46: {  	_ =	shalt  }
0x47: {  	_ =	shalt  }
0x48: {  	_ =	shalt  }
0x49: {  	_ =	shalt  }
0x4a: {  	_ =	shalt  }
0x4b: {  	_ =	shalt  }
0x4c: {  	_ =	shalt  }
0x4d: {  	_ =	shalt  }
0x4e: {  	_ =	shalt  }
0x4f: {  	_ =	shalt  }
0x50: {  	_ =	shalt  }
0x51: {  	_ =	shalt  }
0x52: {  	_ =	shalt  }
0x53: {  	_ =	shalt  }
0x54: {  	_ =	shalt  }
0x55: {  	_ =	shalt  }
0x56: {  	_ =	shalt  }
0x57: {  	_ =	shalt  }
0x58: {  	_ =	shalt  }
0x59: {  	_ =	shalt  }
0x5a: {  	_ =	shalt  }
0x5b: {  	_ =	shalt  }
0x5c: {  	_ =	shalt  }
0x5d: {  	_ =	shalt  }
0x5e: {  	_ =	shalt  }
0x5f: {  	_ =	shalt  }
0x60: {  	_ =	shalt  }
0x61: {  	_ =	shalt  }
0x62: {  	_ =	shalt  }
0x63: {  	_ =	shalt  }
0x64: {  	_ =	shalt  }
0x65: {  	_ =	shalt  }
0x66: {  	_ =	shalt  }
0x67: {  	_ =	shalt  }
0x68: {  	_ =	shalt  }
0x69: {  	_ =	shalt  }
0x6a: {  	_ =	shalt  }
0x6b: {  	_ =	shalt  }
0x6c: {  	_ =	shalt  }
0x6d: {  	_ =	shalt  }
0x6e: {  	_ =	shalt  }
0x6f: {  	_ =	shalt  }
0x70: {  	_ =	shalt  }
0x71: {  	_ =	shalt  }
0x72: {  	_ =	shalt  }
0x73: {  	_ =	shalt  }
0x74: {  	_ =	shalt  }
0x75: {  	_ =	shalt  }
0x76: {  	_ =	shalt  }
0x77: {  	_ =	shalt  }
0x78: {  	_ =	shalt  }
0x79: {  	_ =	shalt  }
0x7a: {  	_ =	shalt  }
0x7b: {  	_ =	shalt  }
0x7c: {  	_ =	shalt  }
0x7d: {  	_ =	shalt  }
0x7e: {  	_ =	shalt  }
0x7f: {  	_ =	shalt  }
0x80: {  	_ =	shalt  }
0x81: {  	_ =	shalt  }
0x82: {  	_ =	shalt  }
0x83: {  	_ =	shalt  }
0x84: {  	_ =	shalt  }
0x85: {  	_ =	shalt  }
0x86: {  	_ =	shalt  }
0x87: {  	_ =	shalt  }
.Lfunc_end0:
.L_simem_size_0:
called_computation.2_lowered:
.L_overlay_start_0:
0x88: {  	s2 =	sld [smem:$0x3FD9]  }
0x89: {  	s3 =	sld [smem:$0x3FFE];
	_ =	sdelay $0x1  }
0x8a: {  	s1 =	srdreg.scid  }
0x8b: {  	s0 =	sand.u32 $0x1, s1  }
0x8c: {  	s16 =	sshll.u32 s0, $0xA;
	s2 =	sadd.s32 s3, s2  }
0x8d: {  	s2 =	sadd.s32 s2, s16  }
0x8e: {  	[smem:$0x3FC0] =	sst s2  }
0x8f: {  	_ = 	snop  }
0x90: {  	(tm) =	ssettm $0x1  }
0x91: {  	s17 =	sld [smem:$0x3FFB];
	_ =	sdelay $0x3  }
0x92: {  	_ =	strace s17  }
0x93: {  	s2 =	sld [smem:$0x3FFC];
	_ =	sdelay $0x3  }
0x94: {  	_ =	strace s2  }
0x95: {  	s2 =	sld [smem:$0x3FFD];
	_ =	sdelay $0x3  }
0x96: {  	_ =	strace s2  }
0x97: {  	_ =	strace $0x8FFFFFFF  }
0x98: {  	s18 =	sld [smem:$0x3FDB];
	_ =	sdelay $0x1  }
0x99: {  	s19 =	simm.s32 $_scs_section_size  }
0x9a: {  	s4 =	simm.s32 $_size__tile_overlayer_lowered;
	s5 =	simm.s32 $_tile_overlayer_lowered  }
0x9b: {  	s22 =	simm.s32 $0x1BFF;
	s21 =	sshll.u32 s5, $0x1;
	s2 =	sadd.s32 s19, s18  }
0x9c: {  	s6 =	simm.s32 $0x0;
	s20 =	sshll.u32 s4, $0x1;
	s4 =	sadd.s32 s21, s2  }
0x9d: {  	[timem:s6], [sflag:s22] =	dma.local [hbm:s4], s20  }
0x9e: {  	_ =	swait.ge [sflag:s22], s20  }
0x9f: {  	s3 =	ssub.s32 $0x0, s20;
	[sflag:s22] =	ssyncset.done $0x0  }
0xa0: {  	[sflag:s22] =	ssyncadd.s32 s3;
	_ =	sdelay $0x1  }
0xa1: {  	s23 =	simm.s32 $0x1B8B  }
0xa2: {  	_ =	swait.ge [sflag:s23], $0x1  }
0xa3: {  	[sflag:s23] =	ssyncset.done $0x0  }
0xa4: {  	s25 =	simm.s32 $0x1B8E;
	s24 =	sld [smem:$0x3FFE];
	[sflag:s23] =	ssyncadd.s32 $0xFFFFFFFF  }
0xa5: {  	s26 =	simm.s32 $execute0_lowered;
	[smem:$0x3FD2] =	sst s25  }
0xa6: {  	s4 =	sshll.u32 s26, $0x1;
	_ =	strace $0x8000004C;
	[dreg:$0x1] =	wrdreg $0xFFFFFFFF  }
0xa7: {  	s28 =	simm.s32 $_size_execute0_lowered;
	s2 =	sadd.s32 s2, s4;
	[dreg:$0x0] =	wrdreg $0x0  }
0xa8: {  	s4 =	sshll.u32 s28, $0x1;
	[dreg:$0x2] =	wrdreg s2  }
0xa9: {  	[dreg:$0x3] =	wrdreg s4  }
0xaa: {  	[dreg:$0x4] =	wrdreg $0xC0  }
0xab: {  	_ =	task [dreg:s6], $0x5FFFF  }
0xac: {  	[dreg:$0x1] =	wrdreg $0xFFFFFFFF  }
0xad: {  	[dreg:$0x0] =	wrdreg $0x60  }
0xae: {  	[dreg:$0x2] =	wrdreg s24  }
0xaf: {  	[dreg:$0x3] =	wrdreg $0x76200  }
0xb0: {  	[dreg:$0x4] =	wrdreg $0x112600  }
0xb1: {  	[dreg:$0x5] =	wrdreg $0x9  }
0xb2: {  	_ =	task.clear_ibuf [dreg:s6], $0x6FFFF;
	_ =	strace $0x9000004C  }
0xb3: {  	s29 =	simm.s32 $0x9;
	_ =	strace $0x8000004E  }
0xb4: {  	_ =	swait.ge [sflag:s29], $0x1  }
0xb5: {  	[sflag:s29] =	ssyncadd.s32 $0xFFFFFFFF  }
0xb6: {  	_ =	strace $0x9000004E  }
0xb7: {  	_ =	sfence  }
0xb8: {  	s30 =	sld [smem:$0x0];
	_ =	sdelay $0x2  }
0xb9: {  	s31 =	sshll.u32 s1, $0xD;
	s1 =	sshrl.u32 s1, $0x2  }
0xba: {  	s3 =	sand.u32 $0x4000, s31;
	s1 =	sadd.s32 s1, s30  }
0xbb: {  	s0 =	sor.u32 s3, s0;
	s1 =	sshll.u32 s1, $0x11  }
0xbc: {  	s0 =	sor.u32 s1, s0  }
0xbd: {  	s0 =	sadd.s32 $0x8F2B, s0  }
0xbe: {  	[sflag:s0] =	ssyncadd.remote.s32 $0x1  }
0xbf: {  	_ =	sfence.sel $0xFFFF  }
0xc0: {  	[dreg:$0x0] =	wrdreg $0xFFFFFFFF;
	(pc) =	sbr.abs _section_cstart, $3  }
0xc1: {  	[dreg:$0x1] =	wrdreg $0xFFFFFFFF  }
0xc2: {  	_ =	task.clear_ibuf [dreg:s6], $0x2FFFF;
	_ =	strace $0x9FFFFFFF  }
0xc3: {  	(tm) =	ssettm $0x7FFFFFFF  }
tec
execute0_lowered:
.L_overlay_start_1:
0x0: {  	(tag) =	ssettag $0x1  }
0x1: {  	s5 =	rddreg [dreg:$0x0]  }
0x2: {  	s1 =	rddreg [dreg:$0x1];
	s0 =	srdreg.scid  }
0x3: {  	s3 =	rddreg [dreg:$0x2];
	s2 =	stileid.u32;
	s4 =	simm.s32 $0x0  }
0x4: {  	s16 =	simm.s32 $0x8;
	s17 =	simm.s32 $0x10;
	s18 =	simm.s32 $0x2710  }
0x5: {  	s19 =	simm.s32 $0x50;
	s20 =	simm.s32 $0x4E20;
	s21 =	simm.s32 $0x6220  }
0x6: {  	s22 =	simm.s32 $0x2;
	s23 =	simm.s32 $0x4DD0;
	s24 =	simm.s32 $0x0  }
0x7: {  	s6 =	sand.u32 $0x1, s0;
	s0 =	rddreg [dreg:$0x3];
	s8 =	smul.u32 $0x13880, s2  }
0x8: {  	[smem:$0x7FF] =	sst s4;
	s10 =	smul.u32 $0x9C40, s2;
	s31 =	sshll.u32 s2, $0x6  }
0x9: {  	s7 =	sshll.u32 s6, $0x4;
	_ =	strace $0x8000004D;
	s11 =	sshll.u32 s6, $0x6  }
0xa: {  	s6 =	ssub.s32 $0x2, s6;
	s7 =	sor.u32 s2, s7;
	s9 =	sshrl.u32 s8, $0x3  }
0xb: {  	s26 =	sor.u32 s11, s8;
	s28 =	sshrl.u32 s10, $0x3;
	s30 =	sshrl.u32 s6, $0x1  }
0xc: {  	s14 =	sadd.s32 s10, s1;
	s15 =	sadd.s32 s10, s3;
	s7 =	smul.u32 $0x2710, s7  }
0xd: {  	s9 =	sadd.s32 s9, s5;
	s8 =	sadd.s32 s28, s5;
	s13 =	ssub.s32 s6, s30  }
0xe: {  	s6 =	sor.u32 $0x1C03, s31;
	s11 =	smax.u32 s13, $0x1;
	s7 =	sshrl.u32 s7, $0x3  }
0xf: {  	s13 =	simm.s32 $0x3;
	s12 =	sadd.s32 s7, s5;
	s7 =	sshrl.u32 s26, $0x3  }
0x10: {  	s29 =	sadd.s32 s7, s5;
	s5 =	sadd.s32 $0x43A00, s8;
	s7 =	sadd.s32 $0x1C800, s9  }
0x11: {  	s8 =	sadd.s32 $0x3E00, s12;
	s9 =	sadd.s32 $0xDA40, s12;
	s12 =	sshrl.u32 s14, $0x3  }
0x12: {  	s14 =	sshrl.u32 s15, $0x3;
	s15 =	simm.s32 $0x1;
	s10 =	sadd.s32 $0x57400, s29  }
.LBB2_1:
0x13: {  	[spmem:s12], [sflag:s6] =	dma.local [hbm:s5], $0x1388  }
0x14: {  	_ =	swait.ge [sflag:s13], $0x1388  }
0x15: {  	[sflag:s13] =	ssyncset.done $0x0  }
0x16: {  	[sflag:s13] =	ssyncadd.s32 $0xFFFFEC78  }
0x17: {  	[spmem:s14@s16], [sflag:s6] =	dma.strided [hbm:s7@s17], $0x1388, s15, $0x8   }
0x18: {  	_ =	swait.ge [sflag:s13], $0x1388  }
0x19: {  	[sflag:s13] =	ssyncset.done $0x0  }
0x1a: {  	[sflag:s13] =	ssyncadd.s32 $0xFFFFEC78  }
0x1b: {  	[tilespmem:s4], [sflag:$0x3] =	stream.linear.gather [hbm4b:s8+s4], $0x2710, $0x38;
	[tilespmem:$0x1AEA0] =	vst v63  }
0x1c: {  	_ =	swait.ge [sflag:s13], $0x2710  }
0x1d: {  	[sflag:s13] =	ssyncset.done $0x0  }
0x1e: {  	[sflag:s13] =	ssyncadd.s32 $0xFFFFD8F0  }
0x1f: {  	[tilespmem:s18], [sflag:$0x3] =	stream.linear.gather [hbm4b:s9+s4], $0x2710, $0x38;
	[tilespmem:$0x1AEA0] =	vst v63  }
0x20: {  	_ =	swait.ge [sflag:s13], $0x2710  }
0x21: {  	[sflag:s13] =	ssyncset.done $0x0  }
0x22: {  	[sflag:s13] =	ssyncadd.s32 $0xFFFFD8F0  }
0x23: {  	[bflag:$0x0] =	sbarrier.arrive $0xFFFF  }
0x24: {  	[tilespmem:s20], [sflag:$0x1] =	stream.indirect.gather [spmem:s3], $0x40, s4, s19, $0xb8;
	[tilespmem:$0x1AEA0] =	vst v63  }
0x25: {  	s25 =	simm.s32 $0x50  }
0x26: {  	[tilespmem:s21], [sflag:$0x2] =	stream.indirect.gather [spmem:s3], $0x40, s25, s19, $0xb8;
	[tilespmem:$0x1AEA0] =	vst v63  }
0x27: {  	_ =	swait.ge [sflag:s15], $0x1400  }
0x28: {  	[sflag:s15] =	ssyncset.done $0x0  }
0x29: {  	s29 =	simm.s32 $0x2710;
	[sflag:s15] =	ssyncadd.s32 $0xFFFFEC00  }
0x2a: {  	[spmem:s1] =	stream.indirect.scatter.add.f32 [tilespmem:s20], [sflag:$0x3], $0x40, s29, s19, $0xb8;
	[tilespmem:$0x1AEA0] =	vst v63  }
0x2b: {  	_ =	swait.ge [sflag:s13], $0x1400  }
0x2c: {  	[sflag:s13] =	ssyncset.done $0x0  }
0x2d: {  	s30 =	simm.s32 $0xA0;
	[sflag:s13] =	ssyncadd.s32 $0xFFFFEC00  }
0x2e: {  	[tilespmem:s20], [sflag:$0x1] =	stream.indirect.gather [spmem:s3], $0x40, s30, s19, $0xb8;
	[tilespmem:$0x1AEA0] =	vst v63  }
0x2f: {  	_ =	swait.ge [sflag:s22], $0x1400  }
0x30: {  	[sflag:s22] =	ssyncset.done $0x0  }
0x31: {  	s31 =	simm.s32 $0x2760;
	[sflag:s22] =	ssyncadd.s32 $0xFFFFEC00  }
0x32: {  	[spmem:s1] =	stream.indirect.scatter.add.f32 [tilespmem:s21], [sflag:$0x3], $0x40, s31, s19, $0xb8;
	[tilespmem:$0x1AEA0] =	vst v63  }
0x33: {  	_ =	swait.ge [sflag:s13], $0x1400  }
0x34: {  	s26 =	simm.s32 $0x500;
	s25 =	simm.s32 $0xA0;
	[sflag:s13] =	ssyncset.done $0x0  }
.LBB2_2:
0x35: {  	s28 =	sadd.s32 $0x50, s25  }
0x36: {  	[sflag:s13] =	ssyncadd.s32 $0xFFFFEC00;
	s29 =	smov.u32 s26;
	s30 =	sadd.s32 $0x280, s26  }
0x37: {  	[tilespmem:s21], [sflag:$0x2] =	stream.indirect.gather [spmem:s3], $0x40, s28, s19, $0xb8;
	[tilespmem:$0x1AEA0] =	vst v63  }
0x38: {  	p0 =	sne.s32 s26, $0x9880;
	_ =	swait.ge [sflag:s15], $0x1400  }
0x39: {  	[sflag:s15] =	ssyncset.done $0x0  }
0x3a: {  	s26 =	sadd.s32 $0x2710, s25;
	[sflag:s15] =	ssyncadd.s32 $0xFFFFEC00  }
0x3b: {  	[spmem:s1] =	stream.indirect.scatter.add.f32 [tilespmem:s20], [sflag:$0x3], $0x40, s26, s19, $0xb8;
	[tilespmem:$0x1AEA0] =	vst v63  }
0x3c: {  	_ =	swait.ge [sflag:s13], $0x1400  }
0x3d: {  	[sflag:s13] =	ssyncset.done $0x0  }
0x3e: {  	s26 =	sadd.s32 $0xA0, s25;
	[sflag:s13] =	ssyncadd.s32 $0xFFFFEC00  }
0x3f: {  	[tilespmem:s20], [sflag:$0x1] =	stream.indirect.gather [spmem:s3], $0x40, s26, s19, $0xb8;
	[tilespmem:$0x1AEA0] =	vst v63  }
0x40: {  	_ =	swait.ge [sflag:s22], $0x1400  }
.Ltmp0:
0x41: {  	[sflag:s22] =	ssyncset.done $0x0;
	(pc) =	sbr.rel @p0 .LBB2_2-.Ltmp0, $4  }
0x42: {  	s25 =	sadd.s32 $0x2760, s25;
	[sflag:s22] =	ssyncadd.s32 $0xFFFFEC00  }
0x43: {  	[spmem:s1] =	stream.indirect.scatter.add.f32 [tilespmem:s21], [sflag:$0x3], $0x40, s25, s19, $0xb8;
	[tilespmem:$0x1AEA0] =	vst v63  }
0x44: {  	_ =	swait.ge [sflag:s13], $0x1400  }
0x45: {  	s26 =	smov.u32 s30;
	s25 =	sshra.s32 s29, $0x2;
	[sflag:s13] =	ssyncset.done $0x0  }
0x46: {  	s26 =	sadd.s32 $0x50, s25;
	[sflag:s13] =	ssyncadd.s32 $0xFFFFEC00  }
0x47: {  	[tilespmem:s21], [sflag:$0x2] =	stream.indirect.gather [spmem:s3], $0x40, s26, s19, $0xb8;
	[tilespmem:$0x1AEA0] =	vst v63  }
0x48: {  	_ =	swait.ge [sflag:s15], $0x1400  }
0x49: {  	[sflag:s15] =	ssyncset.done $0x0  }
0x4a: {  	s29 =	sadd.s32 $0x2710, s25;
	[sflag:s15] =	ssyncadd.s32 $0xFFFFEC00  }
0x4b: {  	[spmem:s1] =	stream.indirect.scatter.add.f32 [tilespmem:s20], [sflag:$0x3], $0x40, s29, s19, $0xb8;
	[tilespmem:$0x1AEA0] =	vst v63  }
0x4c: {  	_ =	swait.ge [sflag:s13], $0x1400  }
0x4d: {  	[sflag:s13] =	ssyncset.done $0x0  }
0x4e: {  	s30 =	sadd.s32 $0xA0, s25;
	[sflag:s13] =	ssyncadd.s32 $0xFFFFEC00  }
0x4f: {  	[tilespmem:s20], [sflag:$0x1] =	stream.indirect.gather [spmem:s3], $0x40, s30, s19, $0xb8;
	[tilespmem:$0x1AEA0] =	vst v63  }
0x50: {  	_ =	swait.ge [sflag:s22], $0x1400  }
0x51: {  	[sflag:s22] =	ssyncset.done $0x0  }
0x52: {  	s31 =	sadd.s32 $0x2760, s25;
	[sflag:s22] =	ssyncadd.s32 $0xFFFFEC00  }
0x53: {  	[spmem:s1] =	stream.indirect.scatter.add.f32 [tilespmem:s21], [sflag:$0x3], $0x40, s31, s19, $0xb8;
	[tilespmem:$0x1AEA0] =	vst v63  }
0x54: {  	_ =	swait.ge [sflag:s13], $0x1400  }
0x55: {  	[sflag:s13] =	ssyncset.done $0x0  }
0x56: {  	[sflag:s13] =	ssyncadd.s32 $0xFFFFEC00  }
0x57: {  	_ =	swait.ge [sflag:s15], $0x1400  }
0x58: {  	[sflag:s15] =	ssyncset.done $0x0  }
0x59: {  	[sflag:s15] =	ssyncadd.s32 $0xFFFFEC00  }
0x5a: {  	[spmem:s1] =	stream.indirect.scatter.add.f32 [tilespmem:s20], [sflag:$0x3], $0x40, s23, s19, $0xb8;
	[tilespmem:$0x1AEA0] =	vst v63  }
0x5b: {  	_ =	swait.ge [sflag:s13], $0x1400  }
0x5c: {  	s24 =	sadd.s32 $0x1, s24;
	[sflag:s13] =	ssyncset.done $0x0  }
0x5d: {  	p0 =	sne.s32 s24, s11;
	[sflag:s13] =	ssyncadd.s32 $0xFFFFEC00  }
.Ltmp1:
0x5e: {  	[bflag:$0x0] =	sbarrier.arrive $0xFFFF;
	(pc) =	sbr.rel @p0 .LBB2_1-.Ltmp1, $4  }
0x5f: {  	[hbm:s10@s17], [sflag:s6] =	dma.strided [spmem:s12@s16], $0x1388, s15, $0x8   }
0x60: {  	_ =	swait.ge [sflag:s13], $0x1388  }
0x61: {  	[sflag:s13] =	ssyncset.done $0x0  }
0x62: {  	[sflag:s13] =	ssyncadd.s32 $0xFFFFEC78  }
0x63: {  	_ =	sfence.sel $0x180000  }
0x64: {  	[bflag:$0x0] =	sbarrier.arrive $0xFFFF  }
0x65: {  	p0 =	sne.s32 s2, $0x0;
	_ =	strace $0x9000004D  }
0x66: {  	s0 =	sadd.s32 @!p0 $0x100000, s0;
	[bflag:$0x2] =	sbarrier.arrive $0xFFFF  }
0x67: {  	[sflag:s0] =	ssyncadd.tile.s32 @!p0 $0x1;
	_ =	shalt  }
.Lfunc_end2:
_tile_overlayer_lowered:
.L_overlay_start_2:
0x68: {  	(tag) =	ssettag $0x2  }
0x69: {  	s0 =	rddreg [dreg:$0x0];
	s2 =	stileid.u32  }
0x6a: {  	s1 =	rddreg [dreg:$0x1];
	p0 =	sne.s32 s2, $0x0  }
0x6b: {  	s3 =	rddreg [dreg:$0x2];
	[bflag:$0x3] =	sbarrier.arrive $0xFFFF;
	s2 =	simm.s32 @!p0 $0x1C03  }
0x6c: {  	[timem:s3], [sflag:s2] =	dma.local @!p0 [hbm:s0], s1  }
0x6d: {  	s0 =	simm.s32 @!p0 $0x3  }
0x6e: {  	_ =	swait.ge @!p0 [sflag:s0], s1  }
0x6f: {  	s1 =	ssub.s32 @!p0 $0x0, s1;
	[sflag:s0] =	ssyncset.done @!p0 $0x0  }
0x70: {  	[sflag:s0] =	ssyncadd.s32 @!p0 s1  }
0x71: {  	[bflag:$0x3] =	sbarrier.arrive $0xFFFF  }
0x72: {  	_ =	shalt  }

// kernel: kernel.20.cloned.1.call-start
scs
__scs_entry_jumppad:
0x0: {  	(pc) =	sbr.rel $0x88, $3  }
0x1: {  	(tag) =	ssettag $0x0;
	lr =	simm.s32 $0x1  }
0x2: {  	[smem:$0x3F99] =	sst lr;
	_ =	strace $0xD0000000  }
0x3: {  	_ = 	snop  }
0x4: {  	_ = 	snop  }
0x5: {  	_ = 	snop  }
0x6: {  	_ = 	snop  }
0x7: {  	_ = 	snop  }
__scs_overlays_trampoline_lowered:
0x8: {  	[smem:$0x3FA8] =	sst s0  }
0x9: {  	[smem:$0x3FA9] =	sst s1  }
0xa: {  	[smem:$0x3FAA] =	sst s2  }
0xb: {  	[smem:$0x3FAB] =	sst s3  }
0xc: {  	[smem:$0x3FAC] =	sst s4  }
0xd: {  	[smem:$0x3FAD] =	sst s5  }
0xe: {  	[smem:$0x3FAE] =	sst s6  }
0xf: {  	[smem:$0x3FAF] =	sst s7  }
0x10: {  	[smem:$0x3FB0] =	sst s8  }
0x11: {  	[smem:$0x3FB1] =	sst s9;
	s0 =	simm.s32 @!p0 $0x0  }
0x12: {  	s1 =	sld [smem:$0x3F97];
	s0 =	simm.s32 @p0 $0x1  }
0x13: {  	[smem:$0x3FB2] =	sst s0;
	s0 =	simm.s32 @!p1 $0x0  }
0x14: {  	s2 =	sld [smem:$0x3F96];
	s0 =	simm.s32 @p1 $0x1  }
0x15: {  	[smem:$0x3FB3] =	sst s0;
	s0 =	simm.s32 @!p2 $0x0  }
0x16: {  	s3 =	sld [smem:$0x3FDB];
	s0 =	simm.s32 @p2 $0x1  }
0x17: {  	s4 =	simm.s32 $0x1BF5;
	[smem:$0x3FB5] =	sst s0  }
0x18: {  	s0 =	sld [smem:$0x3F98];
	_ =	swait.ge [sflag:s4], $0x0  }
0x19: {  	s7 =	sld [smem:$0x3F99]  }
0x1a: {  	s8 =	sadd.s32 $0xFFFFE003, lr  }
0x1b: {  	s9 =	sadd.s32 $0xFFFFFEF7, lr;
	s5 =	simm.s32 $0xFFFFFFFF;
	p2 =	slt.u32 s8, $0xFFFFF086  }
0x1c: {  	p1 =	slt.u32 s9, $0xF7A;
	s5 =	simm.s32 @!p2 $0x0  }
0x1d: {  	s5 =	simm.s32 @p1 $0x1;
	p0 =	seq.s32 s7, s2  }
0x1e: {  	s7 =	smul.u32 @!p0 $0xF7A, s2;
	p2 =	seq.s32 @!p0 s5, $0x0  }
0x1f: {  	s9 =	smul.u32 $0xF7A, s1;
	s8 =	simm.s32 @!p0 $0x1BF5;
	p2 =	por !p2, p0  }
0x20: {  	[sflag:s8] =	ssyncset.s32 @!p0 $0xFFFFF086;
	s6 =	sadd.s32 @!p0 s3, s7;
	s7 =	simm.s32 @!p0 $0x108  }
0x21: {  	s3 =	sadd.s32 s3, s9;
	s6 =	sadd.s32 @!p0 $0x88, s6;
	s7 =	simm.s32 @p2 $0x1082  }
0x22: {  	[simem:s7], [sflag:s8] =	dma.local @!p0 [hbm:s6], $0xF7A  }
0x23: {  	s9 =	sor.u32 $0xD0000000, s2;
	s6 =	simm.s32 $0x108;
	_ =	swait.ge @!p0 [sflag:s8], $0x0  }
0x24: {  	s3 =	sadd.s32 $0x88, s3;
	s6 =	simm.s32 @!p1 $0x1082;
	[sflag:s4] =	ssyncset.s32 $0xFFFFF086  }
0x25: {  	[simem:s6], [sflag:s4] =	dma.local [hbm:s3], $0xF7A  }
0x26: {  	[smem:$0x3F99] =	sst s1;
	(tag) =	ssettag s2;
	_ =	strace s9  }
0x27: {  	s1 =	sld [smem:$0x3FA9]  }
0x28: {  	s2 =	sld [smem:$0x3FAA]  }
0x29: {  	s4 =	sld [smem:$0x3FAC]  }
0x2a: {  	p0 =	seq.s32 s5, $0x0;
	s5 =	sld [smem:$0x3FAD]  }
0x2b: {  	s6 =	sld [smem:$0x3FAE]  }
0x2c: {  	s7 =	sld [smem:$0x3FAF]  }
0x2d: {  	s3 =	simm.s32 $0x108;
	s8 =	sld [smem:$0x3FB0]  }
0x2e: {  	s3 =	simm.s32 @!p0 $0x1082;
	s9 =	sld [smem:$0x3FB1]  }
0x2f: {  	lr =	sadd.s32 s0, s3;
	s0 =	sld [smem:$0x3FA8]  }
0x30: {  	s3 =	sld [smem:$0x3FAB]  }
0x31: {  	[smem:$0x3FB4] =	sst s10  }
0x32: {  	s10 =	sld [smem:$0x3FB2];
	_ =	sdelay $0x3  }
0x33: {  	p0 =	seq.s32 s10, $0x1;
	s10 =	sld [smem:$0x3FB4];
	_ =	sdelay $0x3  }
0x34: {  	[smem:$0x3FB4] =	sst s10  }
0x35: {  	s10 =	sld [smem:$0x3FB3];
	_ =	sdelay $0x3  }
0x36: {  	p1 =	seq.s32 s10, $0x1;
	s10 =	sld [smem:$0x3FB4];
	_ =	sdelay $0x3  }
0x37: {  	[smem:$0x3FB4] =	sst s10  }
0x38: {  	s10 =	sld [smem:$0x3FB5]  }
0x39: {  	_ = 	snop;
	(pc) =	sbr.ind lr, $3  }
0x3a: {  	_ = 	snop  }
0x3b: {  	_ = 	snop  }
0x3c: {  	p2 =	seq.s32 s10, $0x1;
	s10 =	sld [smem:$0x3FB4]  }
0x3d: {  	_ =	shalt  }
0x3e: {  	_ =	shalt  }
0x3f: {  	_ =	shalt  }
0x40: {  	_ =	shalt  }
0x41: {  	_ =	shalt  }
0x42: {  	_ =	shalt  }
0x43: {  	_ =	shalt  }
0x44: {  	_ =	shalt  }
0x45: {  	_ =	shalt  }
0x46: {  	_ =	shalt  }
0x47: {  	_ =	shalt  }
0x48: {  	_ =	shalt  }
0x49: {  	_ =	shalt  }
0x4a: {  	_ =	shalt  }
0x4b: {  	_ =	shalt  }
0x4c: {  	_ =	shalt  }
0x4d: {  	_ =	shalt  }
0x4e: {  	_ =	shalt  }
0x4f: {  	_ =	shalt  }
0x50: {  	_ =	shalt  }
0x51: {  	_ =	shalt  }
0x52: {  	_ =	shalt  }
0x53: {  	_ =	shalt  }
0x54: {  	_ =	shalt  }
0x55: {  	_ =	shalt  }
0x56: {  	_ =	shalt  }
0x57: {  	_ =	shalt  }
0x58: {  	_ =	shalt  }
0x59: {  	_ =	shalt  }
0x5a: {  	_ =	shalt  }
0x5b: {  	_ =	shalt  }
0x5c: {  	_ =	shalt  }
0x5d: {  	_ =	shalt  }
0x5e: {  	_ =	shalt  }
0x5f: {  	_ =	shalt  }
0x60: {  	_ =	shalt  }
0x61: {  	_ =	shalt  }
0x62: {  	_ =	shalt  }
0x63: {  	_ =	shalt  }
0x64: {  	_ =	shalt  }
0x65: {  	_ =	shalt  }
0x66: {  	_ =	shalt  }
0x67: {  	_ =	shalt  }
0x68: {  	_ =	shalt  }
0x69: {  	_ =	shalt  }
0x6a: {  	_ =	shalt  }
0x6b: {  	_ =	shalt  }
0x6c: {  	_ =	shalt  }
0x6d: {  	_ =	shalt  }
0x6e: {  	_ =	shalt  }
0x6f: {  	_ =	shalt  }
0x70: {  	_ =	shalt  }
0x71: {  	_ =	shalt  }
0x72: {  	_ =	shalt  }
0x73: {  	_ =	shalt  }
0x74: {  	_ =	shalt  }
0x75: {  	_ =	shalt  }
0x76: {  	_ =	shalt  }
0x77: {  	_ =	shalt  }
0x78: {  	_ =	shalt  }
0x79: {  	_ =	shalt  }
0x7a: {  	_ =	shalt  }
0x7b: {  	_ =	shalt  }
0x7c: {  	_ =	shalt  }
0x7d: {  	_ =	shalt  }
0x7e: {  	_ =	shalt  }
0x7f: {  	_ =	shalt  }
0x80: {  	_ =	shalt  }
0x81: {  	_ =	shalt  }
0x82: {  	_ =	shalt  }
0x83: {  	_ =	shalt  }
0x84: {  	_ =	shalt  }
0x85: {  	_ =	shalt  }
0x86: {  	_ =	shalt  }
0x87: {  	_ =	shalt  }
.Lfunc_end0:
.L_simem_size_0:
called_computation.3_lowered:
.L_overlay_start_0:
0x88: {  	s2 =	sld [smem:$0x3FD9]  }
0x89: {  	s3 =	sld [smem:$0x3FFE];
	_ =	sdelay $0x1  }
0x8a: {  	s1 =	srdreg.scid  }
0x8b: {  	s0 =	sand.u32 $0x1, s1  }
0x8c: {  	s16 =	sshll.u32 s0, $0xA;
	s2 =	sadd.s32 s3, s2  }
0x8d: {  	s2 =	sadd.s32 s2, s16  }
0x8e: {  	[smem:$0x3FC0] =	sst s2  }
0x8f: {  	_ = 	snop  }
0x90: {  	(tm) =	ssettm $0x1  }
0x91: {  	s17 =	sld [smem:$0x3FFB];
	_ =	sdelay $0x3  }
0x92: {  	_ =	strace s17  }
0x93: {  	s2 =	sld [smem:$0x3FFC];
	_ =	sdelay $0x3  }
0x94: {  	_ =	strace s2  }
0x95: {  	s2 =	sld [smem:$0x3FFD];
	_ =	sdelay $0x3  }
0x96: {  	_ =	strace s2  }
0x97: {  	_ =	strace $0x8FFFFFFF  }
0x98: {  	s18 =	sld [smem:$0x3FDB];
	_ =	sdelay $0x1  }
0x99: {  	s19 =	simm.s32 $_scs_section_size  }
0x9a: {  	s4 =	simm.s32 $_size__tile_overlayer_lowered;
	s5 =	simm.s32 $_tile_overlayer_lowered  }
0x9b: {  	s22 =	simm.s32 $0x1BFF;
	s21 =	sshll.u32 s5, $0x1;
	s2 =	sadd.s32 s19, s18  }
0x9c: {  	s6 =	simm.s32 $0x0;
	s20 =	sshll.u32 s4, $0x1;
	s4 =	sadd.s32 s21, s2  }
0x9d: {  	[timem:s6], [sflag:s22] =	dma.local [hbm:s4], s20  }
0x9e: {  	_ =	swait.ge [sflag:s22], s20  }
0x9f: {  	s3 =	ssub.s32 $0x0, s20;
	[sflag:s22] =	ssyncset.done $0x0  }
0xa0: {  	[sflag:s22] =	ssyncadd.s32 s3;
	_ =	sdelay $0x1  }
0xa1: {  	s23 =	simm.s32 $0x1B8B  }
0xa2: {  	_ =	swait.ge [sflag:s23], $0x1  }
0xa3: {  	[sflag:s23] =	ssyncset.done $0x0  }
0xa4: {  	s25 =	simm.s32 $0x1B8E;
	s24 =	sld [smem:$0x3FFE];
	[sflag:s23] =	ssyncadd.s32 $0xFFFFFFFF  }
0xa5: {  	s26 =	simm.s32 $execute0_lowered;
	[smem:$0x3FD2] =	sst s25  }
0xa6: {  	s4 =	sshll.u32 s26, $0x1;
	_ =	strace $0x8000004F;
	[dreg:$0x1] =	wrdreg $0xFFFFFFFF  }
0xa7: {  	s28 =	simm.s32 $_size_execute0_lowered;
	s2 =	sadd.s32 s2, s4;
	[dreg:$0x0] =	wrdreg $0x0  }
0xa8: {  	s4 =	sshll.u32 s28, $0x1;
	[dreg:$0x2] =	wrdreg s2  }
0xa9: {  	[dreg:$0x3] =	wrdreg s4  }
0xaa: {  	[dreg:$0x4] =	wrdreg $0xC0  }
0xab: {  	_ =	task [dreg:s6], $0x5FFFF  }
0xac: {  	[dreg:$0x1] =	wrdreg $0xFFFFFFFF  }
0xad: {  	[dreg:$0x0] =	wrdreg $0x60  }
0xae: {  	[dreg:$0x2] =	wrdreg s24  }
0xaf: {  	[dreg:$0x3] =	wrdreg $0x58200  }
0xb0: {  	[dreg:$0x4] =	wrdreg $0x7F300  }
0xb1: {  	[dreg:$0x5] =	wrdreg $0x9  }
0xb2: {  	_ =	task.clear_ibuf [dreg:s6], $0x6FFFF;
	_ =	strace $0x9000004F  }
0xb3: {  	s29 =	simm.s32 $0x9;
	_ =	strace $0x80000051  }
0xb4: {  	_ =	swait.ge [sflag:s29], $0x1  }
0xb5: {  	[sflag:s29] =	ssyncadd.s32 $0xFFFFFFFF  }
0xb6: {  	_ =	strace $0x90000051  }
0xb7: {  	_ =	sfence  }
0xb8: {  	s30 =	sld [smem:$0x0];
	_ =	sdelay $0x2  }
0xb9: {  	s31 =	sshll.u32 s1, $0xD;
	s1 =	sshrl.u32 s1, $0x2  }
0xba: {  	s3 =	sand.u32 $0x4000, s31;
	s1 =	sadd.s32 s1, s30  }
0xbb: {  	s0 =	sor.u32 s3, s0;
	s1 =	sshll.u32 s1, $0x11  }
0xbc: {  	s0 =	sor.u32 s1, s0  }
0xbd: {  	s0 =	sadd.s32 $0x8F2B, s0  }
0xbe: {  	[sflag:s0] =	ssyncadd.remote.s32 $0x1  }
0xbf: {  	_ =	sfence.sel $0xFFFF  }
0xc0: {  	[dreg:$0x0] =	wrdreg $0xFFFFFFFF;
	(pc) =	sbr.abs _section_cstart, $3  }
0xc1: {  	[dreg:$0x1] =	wrdreg $0xFFFFFFFF  }
0xc2: {  	_ =	task.clear_ibuf [dreg:s6], $0x2FFFF;
	_ =	strace $0x9FFFFFFF  }
0xc3: {  	(tm) =	ssettm $0x7FFFFFFF  }
tec
execute0_lowered:
.L_overlay_start_1:
0x0: {  	(tag) =	ssettag $0x1  }
0x1: {  	s5 =	rddreg [dreg:$0x0]  }
0x2: {  	s1 =	rddreg [dreg:$0x1];
	s0 =	srdreg.scid  }
0x3: {  	s3 =	rddreg [dreg:$0x2];
	s2 =	stileid.u32  }
0x4: {  	s4 =	simm.s32 $0x0;
	s16 =	simm.s32 $0x2;
	s17 =	simm.s32 $0x10  }
0x5: {  	s18 =	simm.s32 $0x2710;
	s19 =	simm.s32 $0x50;
	s20 =	simm.s32 $0x4E20  }
0x6: {  	s21 =	simm.s32 $0x5320;
	s22 =	simm.s32 $0x4DD0;
	s23 =	simm.s32 $0x0  }
0x7: {  	s6 =	sand.u32 $0x1, s0;
	s0 =	rddreg [dreg:$0x3];
	s8 =	smul.u32 $0x13880, s2  }
0x8: {  	[smem:$0x7FF] =	sst s4;
	s10 =	smul.u32 $0x2710, s2;
	s7 =	sshll.u32 s6, $0x4  }
0x9: {  	s31 =	sshll.u32 s2, $0x6;
	_ =	strace $0x80000050;
	s7 =	sor.u32 s2, s7  }
0xa: {  	s28 =	sshll.u32 s6, $0x6;
	s6 =	ssub.s32 $0x2, s6;
	s7 =	smul.u32 $0x2710, s7  }
0xb: {  	s9 =	sshrl.u32 s8, $0x3;
	s12 =	sshrl.u32 s10, $0x3;
	s30 =	sshrl.u32 s6, $0x1  }
0xc: {  	s14 =	sadd.s32 s10, s1;
	s15 =	sadd.s32 s10, s3;
	s7 =	sshrl.u32 s7, $0x3  }
0xd: {  	s9 =	sadd.s32 s9, s5;
	s11 =	sadd.s32 s7, s5;
	s7 =	sor.u32 s28, s8  }
0xe: {  	s29 =	sadd.s32 s12, s5;
	s12 =	ssub.s32 s6, s30;
	s7 =	sshrl.u32 s7, $0x3  }
0xf: {  	s6 =	sor.u32 $0x1C03, s31;
	s8 =	sadd.s32 $0x3E00, s11;
	s13 =	sadd.s32 s7, s5  }
0x10: {  	s5 =	sadd.s32 $0x17800, s29;
	s7 =	sadd.s32 $0x1C800, s9;
	s9 =	sadd.s32 $0xDA40, s11  }
0x11: {  	s11 =	smax.u32 s12, $0x1;
	s12 =	sshrl.u32 s14, $0x3;
	s14 =	sshrl.u32 s15, $0x3  }
0x12: {  	s15 =	simm.s32 $0x1;
	s10 =	sadd.s32 $0x43A00, s13;
	s13 =	simm.s32 $0x3  }
.LBB2_1:
0x13: {  	[spmem:s12], [sflag:s6] =	dma.local [hbm:s5], $0x4E2  }
0x14: {  	_ =	swait.ge [sflag:s13], $0x4E2  }
0x15: {  	[sflag:s13] =	ssyncset.done $0x0  }
0x16: {  	[sflag:s13] =	ssyncadd.s32 $0xFFFFFB1E  }
0x17: {  	[spmem:s14@s16], [sflag:s6] =	dma.strided [hbm:s7@s17], $0x4E2, s15, $0x2   }
0x18: {  	_ =	swait.ge [sflag:s13], $0x4E2  }
0x19: {  	[sflag:s13] =	ssyncset.done $0x0  }
0x1a: {  	[sflag:s13] =	ssyncadd.s32 $0xFFFFFB1E  }
0x1b: {  	[tilespmem:s4], [sflag:$0x3] =	stream.linear.gather [hbm4b:s8+s4], $0x2710, $0x38;
	[tilespmem:$0xA640] =	vst v63  }
0x1c: {  	_ =	swait.ge [sflag:s13], $0x2710  }
0x1d: {  	[sflag:s13] =	ssyncset.done $0x0  }
0x1e: {  	[sflag:s13] =	ssyncadd.s32 $0xFFFFD8F0  }
0x1f: {  	[tilespmem:s18], [sflag:$0x3] =	stream.linear.gather [hbm4b:s9+s4], $0x2710, $0x38;
	[tilespmem:$0xA640] =	vst v63  }
0x20: {  	_ =	swait.ge [sflag:s13], $0x2710  }
0x21: {  	[sflag:s13] =	ssyncset.done $0x0  }
0x22: {  	[sflag:s13] =	ssyncadd.s32 $0xFFFFD8F0  }
0x23: {  	[bflag:$0x0] =	sbarrier.arrive $0xFFFF  }
0x24: {  	[tilespmem:s20], [sflag:$0x1] =	stream.indirect.gather [spmem:s3], $0x10, s4, s19, $0xb8;
	[tilespmem:$0xA640] =	vst v63  }
0x25: {  	s24 =	simm.s32 $0x50  }
0x26: {  	[tilespmem:s21], [sflag:$0x2] =	stream.indirect.gather [spmem:s3], $0x10, s24, s19, $0xb8;
	[tilespmem:$0xA640] =	vst v63  }
0x27: {  	_ =	swait.ge [sflag:s15], $0x500  }
0x28: {  	[sflag:s15] =	ssyncset.done $0x0  }
0x29: {  	s29 =	simm.s32 $0x2710;
	[sflag:s15] =	ssyncadd.s32 $0xFFFFFB00  }
0x2a: {  	[spmem:s1] =	stream.indirect.scatter.add.f32 [tilespmem:s20], [sflag:$0x3], $0x10, s29, s19, $0xb8;
	[tilespmem:$0xA640] =	vst v63  }
0x2b: {  	_ =	swait.ge [sflag:s13], $0x500  }
0x2c: {  	[sflag:s13] =	ssyncset.done $0x0  }
0x2d: {  	s30 =	simm.s32 $0xA0;
	[sflag:s13] =	ssyncadd.s32 $0xFFFFFB00  }
0x2e: {  	[tilespmem:s20], [sflag:$0x1] =	stream.indirect.gather [spmem:s3], $0x10, s30, s19, $0xb8;
	[tilespmem:$0xA640] =	vst v63  }
0x2f: {  	_ =	swait.ge [sflag:s16], $0x500  }
0x30: {  	[sflag:s16] =	ssyncset.done $0x0  }
0x31: {  	s31 =	simm.s32 $0x2760;
	[sflag:s16] =	ssyncadd.s32 $0xFFFFFB00  }
0x32: {  	[spmem:s1] =	stream.indirect.scatter.add.f32 [tilespmem:s21], [sflag:$0x3], $0x10, s31, s19, $0xb8;
	[tilespmem:$0xA640] =	vst v63  }
0x33: {  	_ =	swait.ge [sflag:s13], $0x500  }
0x34: {  	s25 =	simm.s32 $0x500;
	s24 =	simm.s32 $0xA0;
	[sflag:s13] =	ssyncset.done $0x0  }
.LBB2_2:
0x35: {  	s26 =	sadd.s32 $0x50, s24  }
0x36: {  	[sflag:s13] =	ssyncadd.s32 $0xFFFFFB00;
	s28 =	smov.u32 s25;
	s29 =	sadd.s32 $0x280, s25  }
0x37: {  	[tilespmem:s21], [sflag:$0x2] =	stream.indirect.gather [spmem:s3], $0x10, s26, s19, $0xb8;
	[tilespmem:$0xA640] =	vst v63  }
0x38: {  	p0 =	sne.s32 s25, $0x9880;
	_ =	swait.ge [sflag:s15], $0x500  }
0x39: {  	[sflag:s15] =	ssyncset.done $0x0  }
0x3a: {  	s25 =	sadd.s32 $0x2710, s24;
	[sflag:s15] =	ssyncadd.s32 $0xFFFFFB00  }
0x3b: {  	[spmem:s1] =	stream.indirect.scatter.add.f32 [tilespmem:s20], [sflag:$0x3], $0x10, s25, s19, $0xb8;
	[tilespmem:$0xA640] =	vst v63  }
0x3c: {  	_ =	swait.ge [sflag:s13], $0x500  }
0x3d: {  	[sflag:s13] =	ssyncset.done $0x0  }
0x3e: {  	s25 =	sadd.s32 $0xA0, s24;
	[sflag:s13] =	ssyncadd.s32 $0xFFFFFB00  }
0x3f: {  	[tilespmem:s20], [sflag:$0x1] =	stream.indirect.gather [spmem:s3], $0x10, s25, s19, $0xb8;
	[tilespmem:$0xA640] =	vst v63  }
0x40: {  	_ =	swait.ge [sflag:s16], $0x500  }
.Ltmp0:
0x41: {  	[sflag:s16] =	ssyncset.done $0x0;
	(pc) =	sbr.rel @p0 .LBB2_2-.Ltmp0, $4  }
0x42: {  	s24 =	sadd.s32 $0x2760, s24;
	[sflag:s16] =	ssyncadd.s32 $0xFFFFFB00  }
0x43: {  	[spmem:s1] =	stream.indirect.scatter.add.f32 [tilespmem:s21], [sflag:$0x3], $0x10, s24, s19, $0xb8;
	[tilespmem:$0xA640] =	vst v63  }
0x44: {  	_ =	swait.ge [sflag:s13], $0x500  }
0x45: {  	s25 =	smov.u32 s29;
	s24 =	sshra.s32 s28, $0x2;
	[sflag:s13] =	ssyncset.done $0x0  }
0x46: {  	s25 =	sadd.s32 $0x50, s24;
	[sflag:s13] =	ssyncadd.s32 $0xFFFFFB00  }
0x47: {  	[tilespmem:s21], [sflag:$0x2] =	stream.indirect.gather [spmem:s3], $0x10, s25, s19, $0xb8;
	[tilespmem:$0xA640] =	vst v63  }
0x48: {  	_ =	swait.ge [sflag:s15], $0x500  }
0x49: {  	[sflag:s15] =	ssyncset.done $0x0  }
0x4a: {  	s29 =	sadd.s32 $0x2710, s24;
	[sflag:s15] =	ssyncadd.s32 $0xFFFFFB00  }
0x4b: {  	[spmem:s1] =	stream.indirect.scatter.add.f32 [tilespmem:s20], [sflag:$0x3], $0x10, s29, s19, $0xb8;
	[tilespmem:$0xA640] =	vst v63  }
0x4c: {  	_ =	swait.ge [sflag:s13], $0x500  }
0x4d: {  	[sflag:s13] =	ssyncset.done $0x0  }
0x4e: {  	s30 =	sadd.s32 $0xA0, s24;
	[sflag:s13] =	ssyncadd.s32 $0xFFFFFB00  }
0x4f: {  	[tilespmem:s20], [sflag:$0x1] =	stream.indirect.gather [spmem:s3], $0x10, s30, s19, $0xb8;
	[tilespmem:$0xA640] =	vst v63  }
0x50: {  	_ =	swait.ge [sflag:s16], $0x500  }
0x51: {  	[sflag:s16] =	ssyncset.done $0x0  }
0x52: {  	s31 =	sadd.s32 $0x2760, s24;
	[sflag:s16] =	ssyncadd.s32 $0xFFFFFB00  }
0x53: {  	[spmem:s1] =	stream.indirect.scatter.add.f32 [tilespmem:s21], [sflag:$0x3], $0x10, s31, s19, $0xb8;
	[tilespmem:$0xA640] =	vst v63  }
0x54: {  	_ =	swait.ge [sflag:s13], $0x500  }
0x55: {  	[sflag:s13] =	ssyncset.done $0x0  }
0x56: {  	[sflag:s13] =	ssyncadd.s32 $0xFFFFFB00  }
0x57: {  	_ =	swait.ge [sflag:s15], $0x500  }
0x58: {  	[sflag:s15] =	ssyncset.done $0x0  }
0x59: {  	[sflag:s15] =	ssyncadd.s32 $0xFFFFFB00  }
0x5a: {  	[spmem:s1] =	stream.indirect.scatter.add.f32 [tilespmem:s20], [sflag:$0x3], $0x10, s22, s19, $0xb8;
	[tilespmem:$0xA640] =	vst v63  }
0x5b: {  	_ =	swait.ge [sflag:s13], $0x500  }
0x5c: {  	s23 =	sadd.s32 $0x1, s23;
	[sflag:s13] =	ssyncset.done $0x0  }
0x5d: {  	p0 =	sne.s32 s23, s11;
	[sflag:s13] =	ssyncadd.s32 $0xFFFFFB00  }
.Ltmp1:
0x5e: {  	[bflag:$0x0] =	sbarrier.arrive $0xFFFF;
	(pc) =	sbr.rel @p0 .LBB2_1-.Ltmp1, $4  }
0x5f: {  	[hbm:s10@s17], [sflag:s6] =	dma.strided [spmem:s12@s16], $0x4E2, s15, $0x2   }
0x60: {  	_ =	swait.ge [sflag:s13], $0x4E2  }
0x61: {  	[sflag:s13] =	ssyncset.done $0x0  }
0x62: {  	[sflag:s13] =	ssyncadd.s32 $0xFFFFFB1E  }
0x63: {  	_ =	sfence.sel $0x180000  }
0x64: {  	[bflag:$0x0] =	sbarrier.arrive $0xFFFF  }
0x65: {  	p0 =	sne.s32 s2, $0x0;
	_ =	strace $0x90000050  }
0x66: {  	s0 =	sadd.s32 @!p0 $0x100000, s0;
	[bflag:$0x2] =	sbarrier.arrive $0xFFFF  }
0x67: {  	[sflag:s0] =	ssyncadd.tile.s32 @!p0 $0x1;
	_ =	shalt  }
.Lfunc_end2:
_tile_overlayer_lowered:
.L_overlay_start_2:
0x68: {  	(tag) =	ssettag $0x2  }
0x69: {  	s0 =	rddreg [dreg:$0x0];
	s2 =	stileid.u32  }
0x6a: {  	s1 =	rddreg [dreg:$0x1];
	p0 =	sne.s32 s2, $0x0  }
0x6b: {  	s3 =	rddreg [dreg:$0x2];
	[bflag:$0x3] =	sbarrier.arrive $0xFFFF;
	s2 =	simm.s32 @!p0 $0x1C03  }
0x6c: {  	[timem:s3], [sflag:s2] =	dma.local @!p0 [hbm:s0], s1  }
0x6d: {  	s0 =	simm.s32 @!p0 $0x3  }
0x6e: {  	_ =	swait.ge @!p0 [sflag:s0], s1  }
0x6f: {  	s1 =	ssub.s32 @!p0 $0x0, s1;
	[sflag:s0] =	ssyncset.done @!p0 $0x0  }
0x70: {  	[sflag:s0] =	ssyncadd.s32 @!p0 s1  }
0x71: {  	[bflag:$0x3] =	sbarrier.arrive $0xFFFF  }
0x72: {  	_ =	shalt  }

</sc_bundles>
